<compile_context>
chip_gen: v7x
topology: tpu7x:2x2x1
jax: 0.10.2.dev20260603
libtpu: 0.0.44.dev20260713+nightly
codegen_flags: <defaults>
</compile_context>

<pallas_src>
import functools

import jax
import jax.numpy as jnp
from jax import lax
from jax.experimental import pallas as pl
from jax.experimental.pallas import tpu as pltpu
from jax.experimental.pallas import tpu_sc as plsc

B, S, D = 16, 512, 1024
NC, NS, L = 2, 16, 16
NW = NC * NS
ROWS = B * S
RPW = ROWS // NW
CHUNK = 32
NCHUNK = RPW // CHUNK
NBUF = 3


def _make_kernel():
    mesh = plsc.VectorSubcoreMesh(core_axis_name="c", subcore_axis_name="s")

    @functools.partial(
        pl.kernel,
        mesh=mesh,
        out_type=jax.ShapeDtypeStruct((ROWS, D), jnp.float32),
        scratch_types=(
            [pltpu.VMEM((RPW,), jnp.int32)]
            + [pltpu.VMEM((CHUNK, D), jnp.float32) for _ in range(NBUF)]
            + [pltpu.SemaphoreType.DMA for _ in range(2 * NBUF)]
        ),
    )
    def k(x_hbm, perm_hbm, out_hbm, idx_v, b0, b1, b2, g0, g1, g2, s0, s1, s2):
        wid = lax.axis_index("s") * NC + lax.axis_index("c")
        b = wid // 2
        jbase = (wid % 2) * RPW
        row_off = b * S
        obase = row_off + jbase

        pltpu.sync_copy(perm_hbm.at[pl.ds(jbase, RPW)], idx_v)
        for i in range(RPW // L):
            sl = pl.ds(i * L, L)
            idx_v[sl] = idx_v[sl] + row_off

        bufs = (b0, b1, b2)
        gsem = (g0, g1, g2)
        ssem = (s0, s1, s2)
        store = [None] * NCHUNK
        for c in range(NCHUNK):
            p = c % NBUF
            if c >= NBUF:
                store[c - NBUF].wait()
            pltpu.async_copy(
                x_hbm.at[idx_v.at[pl.ds(c * CHUNK, CHUNK)]], bufs[p],
                gsem[p]).wait()
            store[c] = pltpu.async_copy(
                bufs[p], out_hbm.at[pl.ds(obase + c * CHUNK, CHUNK)], ssem[p])
        for c in range(NCHUNK - NBUF, NCHUNK):
            store[c].wait()

    return k


_sc_gather = _make_kernel()


def kernel(x, perm):
    x_flat = x.reshape(ROWS, D)
    out_flat = _sc_gather(x_flat, perm)
    return out_flat.reshape(B, S, D)

# --- scband reference (transcript-rebuilt; emitter-appended) ---
"""Pipeline reference for scband-set-permutation-3143916061259 (READ-ONLY COPY).

The authoritative reference and input builder live on the scoring server;
editing this copy changes nothing except your own understanding.
"""

import jax, jax.numpy as jnp
import numpy as np


def setup_inputs(seed: int = 0) -> dict:
    key = jax.random.key(seed)
    x = jax.random.normal(key, (16, 512, 1024), dtype=jnp.float32)
    # Fixed permutation (reversal), matching the torch init_kwargs perm list.
    perm = jnp.arange(511, -1, -1, dtype=jnp.int32)
    return {"x": x, "perm": perm}


def reference(x, perm):
    # SetPermutation.forward: permute the set-element axis (dim 1) by perm.
    # perm has length == x.shape[1], so no resampling branch is taken.
    x_new = x[:, perm, :]
    return x_new

if __name__ == "__main__":
    import jax
    _d = setup_inputs()
    print(jax.jit(kernel)(*tuple(_d.values())))

</pallas_src>

<mosaic_0001>
#map = affine_map<(d0, d1) -> (0, 0)>
#map1 = affine_map<(d0, d1) -> (0)>
module attributes {stable_mosaic.version = 14 : i64} {
  func.func @k(%arg0: i32, %arg1: i32, %arg2: memref<8192x1024xf32, #tpu.memory_space<hbm>>, %arg3: memref<512xi32, #tpu.memory_space<hbm>>, %arg4: memref<8192x1024xf32, #tpu.memory_space<hbm>>, %arg5: memref<256xi32, #tpu.memory_space<vmem>>, %arg6: memref<32x1024xf32, #tpu.memory_space<vmem>>, %arg7: memref<32x1024xf32, #tpu.memory_space<vmem>>, %arg8: memref<32x1024xf32, #tpu.memory_space<vmem>>, %arg9: memref<!tpu.dma_semaphore, #tpu.memory_space<semaphore_mem>>, %arg10: memref<!tpu.dma_semaphore, #tpu.memory_space<semaphore_mem>>, %arg11: memref<!tpu.dma_semaphore, #tpu.memory_space<semaphore_mem>>, %arg12: memref<!tpu.dma_semaphore, #tpu.memory_space<semaphore_mem>>, %arg13: memref<!tpu.dma_semaphore, #tpu.memory_space<semaphore_mem>>, %arg14: memref<!tpu.dma_semaphore, #tpu.memory_space<semaphore_mem>>) attributes {dimension_semantics = [#tpu.dimension_semantics<core_parallel>, #tpu.dimension_semantics<subcore_parallel>], iteration_bounds = array<i64: 2, 16>, scalar_prefetch = 0 : i64, scratch_operands = 10 : i64, tpu.core_type = #tpu.core_type<sc_vector_subcore>, window_params = [{transform_indices = #map}, {transform_indices = #map1}, {transform_indices = #map}]} {
    %mul3A = arith.constant 2 : i32
    %mul3A_0 = arith.muli %arg1, %mul3A : i32
    %add3A = arith.addi %mul3A_0, %arg0 : i32
    %jit3A = arith.constant 2 : i32
    %div3A = arith.divsi %add3A, %jit3A : i32
    %sign3A = arith.constant 0 : i32
    %sign3A_1 = arith.cmpi sgt, %add3A, %sign3A : i32
    %sign3A_2 = arith.extui %sign3A_1 : i1 to i32
    %sign3A_3 = arith.constant 0 : i32
    %sign3A_4 = arith.cmpi slt, %add3A, %sign3A_3 : i32
    %sign3A_5 = arith.extui %sign3A_4 : i1 to i32
    %sign3A_6 = arith.subi %sign3A_2, %sign3A_5 : i32
    %sign3A_7 = arith.constant 0 : i32
    %sign3A_8 = arith.cmpi sgt, %jit3A, %sign3A_7 : i32
    %sign3A_9 = arith.extui %sign3A_8 : i1 to i32
    %sign3A_10 = arith.constant 0 : i32
    %sign3A_11 = arith.cmpi slt, %jit3A, %sign3A_10 : i32
    %sign3A_12 = arith.extui %sign3A_11 : i1 to i32
    %sign3A_13 = arith.subi %sign3A_9, %sign3A_12 : i32
    %ne3A = arith.cmpi ne, %sign3A_6, %sign3A_13 : i32
    %rem3A = arith.remsi %add3A, %jit3A : i32
    %ne3A_14 = arith.constant 0 : i32
    %ne3A_15 = arith.cmpi ne, %rem3A, %ne3A_14 : i32
    %and3A = arith.andi %ne3A, %ne3A_15 : i1
    %sub3A = arith.constant 1 : i32
    %sub3A_16 = arith.subi %div3A, %sub3A : i32
    %select_n3A = arith.select %and3A, %sub3A_16, %div3A : i32
    %jit3A_17 = arith.constant 2 : i32
    %eq3A = arith.constant 0 : i32
    %eq3A_18 = arith.cmpi eq, %jit3A_17, %eq3A : i32
    %jit3A_19 = arith.constant 1 : i32
    %select_n3A_20 = arith.select %eq3A_18, %jit3A_19, %jit3A_17 : i32
    %rem3A_21 = arith.remsi %add3A, %select_n3A_20 : i32
    %ne3A_22 = arith.constant 0 : i32
    %ne3A_23 = arith.cmpi ne, %rem3A_21, %ne3A_22 : i32
    %lt3A = arith.constant 0 : i32
    %lt3A_24 = arith.cmpi slt, %rem3A_21, %lt3A : i32
    %lt3A_25 = arith.constant 0 : i32
    %lt3A_26 = arith.cmpi slt, %select_n3A_20, %lt3A_25 : i32
    %ne3A_27 = arith.xori %lt3A_24, %lt3A_26 : i1
    %and3A_28 = arith.andi %ne3A_27, %ne3A_23 : i1
    %add3A_29 = arith.addi %rem3A_21, %select_n3A_20 : i32
    %select_n3A_30 = arith.select %and3A_28, %add3A_29, %rem3A_21 : i32
    %mul3A_31 = arith.constant 256 : i32
    %mul3A_32 = arith.muli %select_n3A_30, %mul3A_31 : i32
    %mul3A_33 = arith.constant 512 : i32
    %mul3A_34 = arith.muli %select_n3A, %mul3A_33 : i32
    %add3A_35 = arith.addi %mul3A_34, %mul3A_32 : i32
    "tpu.region"() ({
      %run_scoped3A = tpu.sem_alloc : memref<!tpu.dma_semaphore, #tpu.memory_space<semaphore_mem>>
      %dma_start3A_336 = tpu.memref_slice %arg3[%mul3A_32] : memref<512xi32, #tpu.memory_space<hbm>> -> memref<256xi32, #tpu.memory_space<hbm>>
      %dma_start3A_337 = tpu.memref_slice %arg3[%mul3A_32] : memref<512xi32, #tpu.memory_space<hbm>> -> memref<256xi32, #tpu.memory_space<hbm>>
      tpu.enqueue_dma source(%dma_start3A_337 : memref<256xi32, #tpu.memory_space<hbm>>) target(%arg5 : memref<256xi32, #tpu.memory_space<vmem>>) target_semaphore(%run_scoped3A : memref<!tpu.dma_semaphore, #tpu.memory_space<semaphore_mem>>)
      %dma_wait3A_338 = tpu.memref_slice %arg3[%mul3A_32] : memref<512xi32, #tpu.memory_space<hbm>> -> memref<256xi32, #tpu.memory_space<hbm>>
      %dma_wait3A_339 = tpu.memref_slice %arg3[%mul3A_32] : memref<512xi32, #tpu.memory_space<hbm>> -> memref<256xi32, #tpu.memory_space<hbm>>
      tpu.wait_dma2 semaphore(%run_scoped3A : memref<!tpu.dma_semaphore, #tpu.memory_space<semaphore_mem>>) src(%dma_wait3A_339 : memref<256xi32, #tpu.memory_space<hbm>>) dst(%arg5 : memref<256xi32, #tpu.memory_space<vmem>>)
      tpu.yield
    }) : () -> ()
    %get3A = arith.constant 0 : index
    %get3A_36 = tpu.vector_load %arg5[%get3A] {strides = array<i32>} : memref<256xi32, #tpu.memory_space<vmem>>, vector<16xi32>,
    %get3A_37 = vector.shape_cast %get3A_36 : vector<16xi32> to vector<16xi32>
    %add3A_38 = vector.broadcast %mul3A_34 : i32 to vector<16xi32>
    %add3A_39 = arith.addi %get3A_37, %add3A_38 : vector<16xi32>
    %swap3A = arith.constant 0 : index
    %swap3A_40 = tpu.vector_load %arg5[%swap3A] {strides = array<i32>} : memref<256xi32, #tpu.memory_space<vmem>>, vector<16xi32>,
    %swap3A_41 = vector.shape_cast %swap3A_40 : vector<16xi32> to vector<16xi32>
    %swap3A_42 = vector.shape_cast %add3A_39 : vector<16xi32> to vector<16xi32>
    tpu.vector_store %arg5[%swap3A], %swap3A_42 {strides = array<i32>} : memref<256xi32, #tpu.memory_space<vmem>>, vector<16xi32>,
    %get3A_43 = arith.constant 16 : index
    %get3A_44 = tpu.vector_load %arg5[%get3A_43] {strides = array<i32>} : memref<256xi32, #tpu.memory_space<vmem>>, vector<16xi32>,
    %get3A_45 = vector.shape_cast %get3A_44 : vector<16xi32> to vector<16xi32>
    %add3A_46 = vector.broadcast %mul3A_34 : i32 to vector<16xi32>
    %add3A_47 = arith.addi %get3A_45, %add3A_46 : vector<16xi32>
    %swap3A_48 = arith.constant 16 : index
    %swap3A_49 = tpu.vector_load %arg5[%swap3A_48] {strides = array<i32>} : memref<256xi32, #tpu.memory_space<vmem>>, vector<16xi32>,
    %swap3A_50 = vector.shape_cast %swap3A_49 : vector<16xi32> to vector<16xi32>
    %swap3A_51 = vector.shape_cast %add3A_47 : vector<16xi32> to vector<16xi32>
    tpu.vector_store %arg5[%swap3A_48], %swap3A_51 {strides = array<i32>} : memref<256xi32, #tpu.memory_space<vmem>>, vector<16xi32>,
    %get3A_52 = arith.constant 32 : index
    %get3A_53 = tpu.vector_load %arg5[%get3A_52] {strides = array<i32>} : memref<256xi32, #tpu.memory_space<vmem>>, vector<16xi32>,
    %get3A_54 = vector.shape_cast %get3A_53 : vector<16xi32> to vector<16xi32>
    %add3A_55 = vector.broadcast %mul3A_34 : i32 to vector<16xi32>
    %add3A_56 = arith.addi %get3A_54, %add3A_55 : vector<16xi32>
    %swap3A_57 = arith.constant 32 : index
    %swap3A_58 = tpu.vector_load %arg5[%swap3A_57] {strides = array<i32>} : memref<256xi32, #tpu.memory_space<vmem>>, vector<16xi32>,
    %swap3A_59 = vector.shape_cast %swap3A_58 : vector<16xi32> to vector<16xi32>
    %swap3A_60 = vector.shape_cast %add3A_56 : vector<16xi32> to vector<16xi32>
    tpu.vector_store %arg5[%swap3A_57], %swap3A_60 {strides = array<i32>} : memref<256xi32, #tpu.memory_space<vmem>>, vector<16xi32>,
    %get3A_61 = arith.constant 48 : index
    %get3A_62 = tpu.vector_load %arg5[%get3A_61] {strides = array<i32>} : memref<256xi32, #tpu.memory_space<vmem>>, vector<16xi32>,
    %get3A_63 = vector.shape_cast %get3A_62 : vector<16xi32> to vector<16xi32>
    %add3A_64 = vector.broadcast %mul3A_34 : i32 to vector<16xi32>
    %add3A_65 = arith.addi %get3A_63, %add3A_64 : vector<16xi32>
    %swap3A_66 = arith.constant 48 : index
    %swap3A_67 = tpu.vector_load %arg5[%swap3A_66] {strides = array<i32>} : memref<256xi32, #tpu.memory_space<vmem>>, vector<16xi32>,
    %swap3A_68 = vector.shape_cast %swap3A_67 : vector<16xi32> to vector<16xi32>
    %swap3A_69 = vector.shape_cast %add3A_65 : vector<16xi32> to vector<16xi32>
    tpu.vector_store %arg5[%swap3A_66], %swap3A_69 {strides = array<i32>} : memref<256xi32, #tpu.memory_space<vmem>>, vector<16xi32>,
    %get3A_70 = arith.constant 64 : index
    %get3A_71 = tpu.vector_load %arg5[%get3A_70] {strides = array<i32>} : memref<256xi32, #tpu.memory_space<vmem>>, vector<16xi32>,
    %get3A_72 = vector.shape_cast %get3A_71 : vector<16xi32> to vector<16xi32>
    %add3A_73 = vector.broadcast %mul3A_34 : i32 to vector<16xi32>
    %add3A_74 = arith.addi %get3A_72, %add3A_73 : vector<16xi32>
    %swap3A_75 = arith.constant 64 : index
    %swap3A_76 = tpu.vector_load %arg5[%swap3A_75] {strides = array<i32>} : memref<256xi32, #tpu.memory_space<vmem>>, vector<16xi32>,
    %swap3A_77 = vector.shape_cast %swap3A_76 : vector<16xi32> to vector<16xi32>
    %swap3A_78 = vector.shape_cast %add3A_74 : vector<16xi32> to vector<16xi32>
    tpu.vector_store %arg5[%swap3A_75], %swap3A_78 {strides = array<i32>} : memref<256xi32, #tpu.memory_space<vmem>>, vector<16xi32>,
    %get3A_79 = arith.constant 80 : index
    %get3A_80 = tpu.vector_load %arg5[%get3A_79] {strides = array<i32>} : memref<256xi32, #tpu.memory_space<vmem>>, vector<16xi32>,
    %get3A_81 = vector.shape_cast %get3A_80 : vector<16xi32> to vector<16xi32>
    %add3A_82 = vector.broadcast %mul3A_34 : i32 to vector<16xi32>
    %add3A_83 = arith.addi %get3A_81, %add3A_82 : vector<16xi32>
    %swap3A_84 = arith.constant 80 : index
    %swap3A_85 = tpu.vector_load %arg5[%swap3A_84] {strides = array<i32>} : memref<256xi32, #tpu.memory_space<vmem>>, vector<16xi32>,
    %swap3A_86 = vector.shape_cast %swap3A_85 : vector<16xi32> to vector<16xi32>
    %swap3A_87 = vector.shape_cast %add3A_83 : vector<16xi32> to vector<16xi32>
    tpu.vector_store %arg5[%swap3A_84], %swap3A_87 {strides = array<i32>} : memref<256xi32, #tpu.memory_space<vmem>>, vector<16xi32>,
    %get3A_88 = arith.constant 96 : index
    %get3A_89 = tpu.vector_load %arg5[%get3A_88] {strides = array<i32>} : memref<256xi32, #tpu.memory_space<vmem>>, vector<16xi32>,
    %get3A_90 = vector.shape_cast %get3A_89 : vector<16xi32> to vector<16xi32>
    %add3A_91 = vector.broadcast %mul3A_34 : i32 to vector<16xi32>
    %add3A_92 = arith.addi %get3A_90, %add3A_91 : vector<16xi32>
    %swap3A_93 = arith.constant 96 : index
    %swap3A_94 = tpu.vector_load %arg5[%swap3A_93] {strides = array<i32>} : memref<256xi32, #tpu.memory_space<vmem>>, vector<16xi32>,
    %swap3A_95 = vector.shape_cast %swap3A_94 : vector<16xi32> to vector<16xi32>
    %swap3A_96 = vector.shape_cast %add3A_92 : vector<16xi32> to vector<16xi32>
    tpu.vector_store %arg5[%swap3A_93], %swap3A_96 {strides = array<i32>} : memref<256xi32, #tpu.memory_space<vmem>>, vector<16xi32>,
    %get3A_97 = arith.constant 112 : index
    %get3A_98 = tpu.vector_load %arg5[%get3A_97] {strides = array<i32>} : memref<256xi32, #tpu.memory_space<vmem>>, vector<16xi32>,
    %get3A_99 = vector.shape_cast %get3A_98 : vector<16xi32> to vector<16xi32>
    %add3A_100 = vector.broadcast %mul3A_34 : i32 to vector<16xi32>
    %add3A_101 = arith.addi %get3A_99, %add3A_100 : vector<16xi32>
    %swap3A_102 = arith.constant 112 : index
    %swap3A_103 = tpu.vector_load %arg5[%swap3A_102] {strides = array<i32>} : memref<256xi32, #tpu.memory_space<vmem>>, vector<16xi32>,
    %swap3A_104 = vector.shape_cast %swap3A_103 : vector<16xi32> to vector<16xi32>
    %swap3A_105 = vector.shape_cast %add3A_101 : vector<16xi32> to vector<16xi32>
    tpu.vector_store %arg5[%swap3A_102], %swap3A_105 {strides = array<i32>} : memref<256xi32, #tpu.memory_space<vmem>>, vector<16xi32>,
    %get3A_106 = arith.constant 128 : index
    %get3A_107 = tpu.vector_load %arg5[%get3A_106] {strides = array<i32>} : memref<256xi32, #tpu.memory_space<vmem>>, vector<16xi32>,
    %get3A_108 = vector.shape_cast %get3A_107 : vector<16xi32> to vector<16xi32>
    %add3A_109 = vector.broadcast %mul3A_34 : i32 to vector<16xi32>
    %add3A_110 = arith.addi %get3A_108, %add3A_109 : vector<16xi32>
    %swap3A_111 = arith.constant 128 : index
    %swap3A_112 = tpu.vector_load %arg5[%swap3A_111] {strides = array<i32>} : memref<256xi32, #tpu.memory_space<vmem>>, vector<16xi32>,
    %swap3A_113 = vector.shape_cast %swap3A_112 : vector<16xi32> to vector<16xi32>
    %swap3A_114 = vector.shape_cast %add3A_110 : vector<16xi32> to vector<16xi32>
    tpu.vector_store %arg5[%swap3A_111], %swap3A_114 {strides = array<i32>} : memref<256xi32, #tpu.memory_space<vmem>>, vector<16xi32>,
    %get3A_115 = arith.constant 144 : index
    %get3A_116 = tpu.vector_load %arg5[%get3A_115] {strides = array<i32>} : memref<256xi32, #tpu.memory_space<vmem>>, vector<16xi32>,
    %get3A_117 = vector.shape_cast %get3A_116 : vector<16xi32> to vector<16xi32>
    %add3A_118 = vector.broadcast %mul3A_34 : i32 to vector<16xi32>
    %add3A_119 = arith.addi %get3A_117, %add3A_118 : vector<16xi32>
    %swap3A_120 = arith.constant 144 : index
    %swap3A_121 = tpu.vector_load %arg5[%swap3A_120] {strides = array<i32>} : memref<256xi32, #tpu.memory_space<vmem>>, vector<16xi32>,
    %swap3A_122 = vector.shape_cast %swap3A_121 : vector<16xi32> to vector<16xi32>
    %swap3A_123 = vector.shape_cast %add3A_119 : vector<16xi32> to vector<16xi32>
    tpu.vector_store %arg5[%swap3A_120], %swap3A_123 {strides = array<i32>} : memref<256xi32, #tpu.memory_space<vmem>>, vector<16xi32>,
    %get3A_124 = arith.constant 160 : index
    %get3A_125 = tpu.vector_load %arg5[%get3A_124] {strides = array<i32>} : memref<256xi32, #tpu.memory_space<vmem>>, vector<16xi32>,
    %get3A_126 = vector.shape_cast %get3A_125 : vector<16xi32> to vector<16xi32>
    %add3A_127 = vector.broadcast %mul3A_34 : i32 to vector<16xi32>
    %add3A_128 = arith.addi %get3A_126, %add3A_127 : vector<16xi32>
    %swap3A_129 = arith.constant 160 : index
    %swap3A_130 = tpu.vector_load %arg5[%swap3A_129] {strides = array<i32>} : memref<256xi32, #tpu.memory_space<vmem>>, vector<16xi32>,
    %swap3A_131 = vector.shape_cast %swap3A_130 : vector<16xi32> to vector<16xi32>
    %swap3A_132 = vector.shape_cast %add3A_128 : vector<16xi32> to vector<16xi32>
    tpu.vector_store %arg5[%swap3A_129], %swap3A_132 {strides = array<i32>} : memref<256xi32, #tpu.memory_space<vmem>>, vector<16xi32>,
    %get3A_133 = arith.constant 176 : index
    %get3A_134 = tpu.vector_load %arg5[%get3A_133] {strides = array<i32>} : memref<256xi32, #tpu.memory_space<vmem>>, vector<16xi32>,
    %get3A_135 = vector.shape_cast %get3A_134 : vector<16xi32> to vector<16xi32>
    %add3A_136 = vector.broadcast %mul3A_34 : i32 to vector<16xi32>
    %add3A_137 = arith.addi %get3A_135, %add3A_136 : vector<16xi32>
    %swap3A_138 = arith.constant 176 : index
    %swap3A_139 = tpu.vector_load %arg5[%swap3A_138] {strides = array<i32>} : memref<256xi32, #tpu.memory_space<vmem>>, vector<16xi32>,
    %swap3A_140 = vector.shape_cast %swap3A_139 : vector<16xi32> to vector<16xi32>
    %swap3A_141 = vector.shape_cast %add3A_137 : vector<16xi32> to vector<16xi32>
    tpu.vector_store %arg5[%swap3A_138], %swap3A_141 {strides = array<i32>} : memref<256xi32, #tpu.memory_space<vmem>>, vector<16xi32>,
    %get3A_142 = arith.constant 192 : index
    %get3A_143 = tpu.vector_load %arg5[%get3A_142] {strides = array<i32>} : memref<256xi32, #tpu.memory_space<vmem>>, vector<16xi32>,
    %get3A_144 = vector.shape_cast %get3A_143 : vector<16xi32> to vector<16xi32>
    %add3A_145 = vector.broadcast %mul3A_34 : i32 to vector<16xi32>
    %add3A_146 = arith.addi %get3A_144, %add3A_145 : vector<16xi32>
    %swap3A_147 = arith.constant 192 : index
    %swap3A_148 = tpu.vector_load %arg5[%swap3A_147] {strides = array<i32>} : memref<256xi32, #tpu.memory_space<vmem>>, vector<16xi32>,
    %swap3A_149 = vector.shape_cast %swap3A_148 : vector<16xi32> to vector<16xi32>
    %swap3A_150 = vector.shape_cast %add3A_146 : vector<16xi32> to vector<16xi32>
    tpu.vector_store %arg5[%swap3A_147], %swap3A_150 {strides = array<i32>} : memref<256xi32, #tpu.memory_space<vmem>>, vector<16xi32>,
    %get3A_151 = arith.constant 208 : index
    %get3A_152 = tpu.vector_load %arg5[%get3A_151] {strides = array<i32>} : memref<256xi32, #tpu.memory_space<vmem>>, vector<16xi32>,
    %get3A_153 = vector.shape_cast %get3A_152 : vector<16xi32> to vector<16xi32>
    %add3A_154 = vector.broadcast %mul3A_34 : i32 to vector<16xi32>
    %add3A_155 = arith.addi %get3A_153, %add3A_154 : vector<16xi32>
    %swap3A_156 = arith.constant 208 : index
    %swap3A_157 = tpu.vector_load %arg5[%swap3A_156] {strides = array<i32>} : memref<256xi32, #tpu.memory_space<vmem>>, vector<16xi32>,
    %swap3A_158 = vector.shape_cast %swap3A_157 : vector<16xi32> to vector<16xi32>
    %swap3A_159 = vector.shape_cast %add3A_155 : vector<16xi32> to vector<16xi32>
    tpu.vector_store %arg5[%swap3A_156], %swap3A_159 {strides = array<i32>} : memref<256xi32, #tpu.memory_space<vmem>>, vector<16xi32>,
    %get3A_160 = arith.constant 224 : index
    %get3A_161 = tpu.vector_load %arg5[%get3A_160] {strides = array<i32>} : memref<256xi32, #tpu.memory_space<vmem>>, vector<16xi32>,
    %get3A_162 = vector.shape_cast %get3A_161 : vector<16xi32> to vector<16xi32>
    %add3A_163 = vector.broadcast %mul3A_34 : i32 to vector<16xi32>
    %add3A_164 = arith.addi %get3A_162, %add3A_163 : vector<16xi32>
    %swap3A_165 = arith.constant 224 : index
    %swap3A_166 = tpu.vector_load %arg5[%swap3A_165] {strides = array<i32>} : memref<256xi32, #tpu.memory_space<vmem>>, vector<16xi32>,
    %swap3A_167 = vector.shape_cast %swap3A_166 : vector<16xi32> to vector<16xi32>
    %swap3A_168 = vector.shape_cast %add3A_164 : vector<16xi32> to vector<16xi32>
    tpu.vector_store %arg5[%swap3A_165], %swap3A_168 {strides = array<i32>} : memref<256xi32, #tpu.memory_space<vmem>>, vector<16xi32>,
    %get3A_169 = arith.constant 240 : index
    %get3A_170 = tpu.vector_load %arg5[%get3A_169] {strides = array<i32>} : memref<256xi32, #tpu.memory_space<vmem>>, vector<16xi32>,
    %get3A_171 = vector.shape_cast %get3A_170 : vector<16xi32> to vector<16xi32>
    %add3A_172 = vector.broadcast %mul3A_34 : i32 to vector<16xi32>
    %add3A_173 = arith.addi %get3A_171, %add3A_172 : vector<16xi32>
    %swap3A_174 = arith.constant 240 : index
    %swap3A_175 = tpu.vector_load %arg5[%swap3A_174] {strides = array<i32>} : memref<256xi32, #tpu.memory_space<vmem>>, vector<16xi32>,
    %swap3A_176 = vector.shape_cast %swap3A_175 : vector<16xi32> to vector<16xi32>
    %swap3A_177 = vector.shape_cast %add3A_173 : vector<16xi32> to vector<16xi32>
    tpu.vector_store %arg5[%swap3A_174], %swap3A_177 {strides = array<i32>} : memref<256xi32, #tpu.memory_space<vmem>>, vector<16xi32>,
    %dma_start3A = arith.constant 0 : i32
    %dma_start3A_178 = tpu.memref_slice %arg5[%dma_start3A] : memref<256xi32, #tpu.memory_space<vmem>> -> memref<32xi32, #tpu.memory_space<vmem>>
    %dma_start3A_179 = arith.constant 0 : i32
    %dma_start3A_180 = arith.constant 0 : i32
    %dma_start3A_181 = tpu.memref_slice %arg2[%dma_start3A_179, %dma_start3A_180] : memref<8192x1024xf32, #tpu.memory_space<hbm>> -> memref<8192x1024xf32, #tpu.memory_space<hbm>>
    tpu.enqueue_indirect_dma source(%dma_start3A_181 : memref<8192x1024xf32, #tpu.memory_space<hbm>>) target(%arg6 : memref<32x1024xf32, #tpu.memory_space<vmem>>) offsets(%dma_start3A_178 : memref<32xi32, #tpu.memory_space<vmem>>) semaphore(%arg9 : memref<!tpu.dma_semaphore, #tpu.memory_space<semaphore_mem>>)
    %dma_wait3A = arith.constant 0 : i32
    %dma_wait3A_182 = tpu.memref_slice %arg5[%dma_wait3A] : memref<256xi32, #tpu.memory_space<vmem>> -> memref<32xi32, #tpu.memory_space<vmem>>
    %dma_wait3A_183 = arith.constant 0 : i32
    %dma_wait3A_184 = arith.constant 0 : i32
    %dma_wait3A_185 = tpu.memref_slice %arg2[%dma_wait3A_183, %dma_wait3A_184] : memref<8192x1024xf32, #tpu.memory_space<hbm>> -> memref<8192x1024xf32, #tpu.memory_space<hbm>>
    tpu.wait_indirect_dma semaphore(%arg9 : memref<!tpu.dma_semaphore, #tpu.memory_space<semaphore_mem>>) src(%dma_wait3A_185 : memref<8192x1024xf32, #tpu.memory_space<hbm>>) dst(%arg6 : memref<32x1024xf32, #tpu.memory_space<vmem>>)
    %add3A_186 = arith.constant 0 : i32
    %add3A_187 = arith.addi %add3A_35, %add3A_186 : i32
    %dma_start3A_188 = arith.constant 0 : i32
    %dma_start3A_189 = tpu.memref_slice %arg4[%add3A_187, %dma_start3A_188] : memref<8192x1024xf32, #tpu.memory_space<hbm>> -> memref<32x1024xf32, #tpu.memory_space<hbm>>
    %dma_start3A_190 = arith.constant 0 : i32
    %dma_start3A_191 = tpu.memref_slice %arg4[%add3A_187, %dma_start3A_190] : memref<8192x1024xf32, #tpu.memory_space<hbm>> -> memref<32x1024xf32, #tpu.memory_space<hbm>>
    tpu.enqueue_dma source(%arg6 : memref<32x1024xf32, #tpu.memory_space<vmem>>) target(%dma_start3A_191 : memref<32x1024xf32, #tpu.memory_space<hbm>>) target_semaphore(%arg12 : memref<!tpu.dma_semaphore, #tpu.memory_space<semaphore_mem>>)
    %dma_start3A_192 = arith.constant 32 : i32
    %dma_start3A_193 = tpu.memref_slice %arg5[%dma_start3A_192] : memref<256xi32, #tpu.memory_space<vmem>> -> memref<32xi32, #tpu.memory_space<vmem>>
    %dma_start3A_194 = arith.constant 0 : i32
    %dma_start3A_195 = arith.constant 0 : i32
    %dma_start3A_196 = tpu.memref_slice %arg2[%dma_start3A_194, %dma_start3A_195] : memref<8192x1024xf32, #tpu.memory_space<hbm>> -> memref<8192x1024xf32, #tpu.memory_space<hbm>>
    tpu.enqueue_indirect_dma source(%dma_start3A_196 : memref<8192x1024xf32, #tpu.memory_space<hbm>>) target(%arg7 : memref<32x1024xf32, #tpu.memory_space<vmem>>) offsets(%dma_start3A_193 : memref<32xi32, #tpu.memory_space<vmem>>) semaphore(%arg10 : memref<!tpu.dma_semaphore, #tpu.memory_space<semaphore_mem>>)
    %dma_wait3A_197 = arith.constant 32 : i32
    %dma_wait3A_198 = tpu.memref_slice %arg5[%dma_wait3A_197] : memref<256xi32, #tpu.memory_space<vmem>> -> memref<32xi32, #tpu.memory_space<vmem>>
    %dma_wait3A_199 = arith.constant 0 : i32
    %dma_wait3A_200 = arith.constant 0 : i32
    %dma_wait3A_201 = tpu.memref_slice %arg2[%dma_wait3A_199, %dma_wait3A_200] : memref<8192x1024xf32, #tpu.memory_space<hbm>> -> memref<8192x1024xf32, #tpu.memory_space<hbm>>
    tpu.wait_indirect_dma semaphore(%arg10 : memref<!tpu.dma_semaphore, #tpu.memory_space<semaphore_mem>>) src(%dma_wait3A_201 : memref<8192x1024xf32, #tpu.memory_space<hbm>>) dst(%arg7 : memref<32x1024xf32, #tpu.memory_space<vmem>>)
    %add3A_202 = arith.constant 32 : i32
    %add3A_203 = arith.addi %add3A_35, %add3A_202 : i32
    %dma_start3A_204 = arith.constant 0 : i32
    %dma_start3A_205 = tpu.memref_slice %arg4[%add3A_203, %dma_start3A_204] : memref<8192x1024xf32, #tpu.memory_space<hbm>> -> memref<32x1024xf32, #tpu.memory_space<hbm>>
    %dma_start3A_206 = arith.constant 0 : i32
    %dma_start3A_207 = tpu.memref_slice %arg4[%add3A_203, %dma_start3A_206] : memref<8192x1024xf32, #tpu.memory_space<hbm>> -> memref<32x1024xf32, #tpu.memory_space<hbm>>
    tpu.enqueue_dma source(%arg7 : memref<32x1024xf32, #tpu.memory_space<vmem>>) target(%dma_start3A_207 : memref<32x1024xf32, #tpu.memory_space<hbm>>) target_semaphore(%arg13 : memref<!tpu.dma_semaphore, #tpu.memory_space<semaphore_mem>>)
    %dma_start3A_208 = arith.constant 64 : i32
    %dma_start3A_209 = tpu.memref_slice %arg5[%dma_start3A_208] : memref<256xi32, #tpu.memory_space<vmem>> -> memref<32xi32, #tpu.memory_space<vmem>>
    %dma_start3A_210 = arith.constant 0 : i32
    %dma_start3A_211 = arith.constant 0 : i32
    %dma_start3A_212 = tpu.memref_slice %arg2[%dma_start3A_210, %dma_start3A_211] : memref<8192x1024xf32, #tpu.memory_space<hbm>> -> memref<8192x1024xf32, #tpu.memory_space<hbm>>
    tpu.enqueue_indirect_dma source(%dma_start3A_212 : memref<8192x1024xf32, #tpu.memory_space<hbm>>) target(%arg8 : memref<32x1024xf32, #tpu.memory_space<vmem>>) offsets(%dma_start3A_209 : memref<32xi32, #tpu.memory_space<vmem>>) semaphore(%arg11 : memref<!tpu.dma_semaphore, #tpu.memory_space<semaphore_mem>>)
    %dma_wait3A_213 = arith.constant 64 : i32
    %dma_wait3A_214 = tpu.memref_slice %arg5[%dma_wait3A_213] : memref<256xi32, #tpu.memory_space<vmem>> -> memref<32xi32, #tpu.memory_space<vmem>>
    %dma_wait3A_215 = arith.constant 0 : i32
    %dma_wait3A_216 = arith.constant 0 : i32
    %dma_wait3A_217 = tpu.memref_slice %arg2[%dma_wait3A_215, %dma_wait3A_216] : memref<8192x1024xf32, #tpu.memory_space<hbm>> -> memref<8192x1024xf32, #tpu.memory_space<hbm>>
    tpu.wait_indirect_dma semaphore(%arg11 : memref<!tpu.dma_semaphore, #tpu.memory_space<semaphore_mem>>) src(%dma_wait3A_217 : memref<8192x1024xf32, #tpu.memory_space<hbm>>) dst(%arg8 : memref<32x1024xf32, #tpu.memory_space<vmem>>)
    %add3A_218 = arith.constant 64 : i32
    %add3A_219 = arith.addi %add3A_35, %add3A_218 : i32
    %dma_start3A_220 = arith.constant 0 : i32
    %dma_start3A_221 = tpu.memref_slice %arg4[%add3A_219, %dma_start3A_220] : memref<8192x1024xf32, #tpu.memory_space<hbm>> -> memref<32x1024xf32, #tpu.memory_space<hbm>>
    %dma_start3A_222 = arith.constant 0 : i32
    %dma_start3A_223 = tpu.memref_slice %arg4[%add3A_219, %dma_start3A_222] : memref<8192x1024xf32, #tpu.memory_space<hbm>> -> memref<32x1024xf32, #tpu.memory_space<hbm>>
    tpu.enqueue_dma source(%arg8 : memref<32x1024xf32, #tpu.memory_space<vmem>>) target(%dma_start3A_223 : memref<32x1024xf32, #tpu.memory_space<hbm>>) target_semaphore(%arg14 : memref<!tpu.dma_semaphore, #tpu.memory_space<semaphore_mem>>)
    %dma_wait3A_224 = arith.constant 0 : i32
    %dma_wait3A_225 = tpu.memref_slice %arg4[%add3A_187, %dma_wait3A_224] : memref<8192x1024xf32, #tpu.memory_space<hbm>> -> memref<32x1024xf32, #tpu.memory_space<hbm>>
    %dma_wait3A_226 = arith.constant 0 : i32
    %dma_wait3A_227 = tpu.memref_slice %arg4[%add3A_187, %dma_wait3A_226] : memref<8192x1024xf32, #tpu.memory_space<hbm>> -> memref<32x1024xf32, #tpu.memory_space<hbm>>
    tpu.wait_dma2 semaphore(%arg12 : memref<!tpu.dma_semaphore, #tpu.memory_space<semaphore_mem>>) src(%arg6 : memref<32x1024xf32, #tpu.memory_space<vmem>>) dst(%dma_wait3A_227 : memref<32x1024xf32, #tpu.memory_space<hbm>>)
    %dma_start3A_228 = arith.constant 96 : i32
    %dma_start3A_229 = tpu.memref_slice %arg5[%dma_start3A_228] : memref<256xi32, #tpu.memory_space<vmem>> -> memref<32xi32, #tpu.memory_space<vmem>>
    %dma_start3A_230 = arith.constant 0 : i32
    %dma_start3A_231 = arith.constant 0 : i32
    %dma_start3A_232 = tpu.memref_slice %arg2[%dma_start3A_230, %dma_start3A_231] : memref<8192x1024xf32, #tpu.memory_space<hbm>> -> memref<8192x1024xf32, #tpu.memory_space<hbm>>
    tpu.enqueue_indirect_dma source(%dma_start3A_232 : memref<8192x1024xf32, #tpu.memory_space<hbm>>) target(%arg6 : memref<32x1024xf32, #tpu.memory_space<vmem>>) offsets(%dma_start3A_229 : memref<32xi32, #tpu.memory_space<vmem>>) semaphore(%arg9 : memref<!tpu.dma_semaphore, #tpu.memory_space<semaphore_mem>>)
    %dma_wait3A_233 = arith.constant 96 : i32
    %dma_wait3A_234 = tpu.memref_slice %arg5[%dma_wait3A_233] : memref<256xi32, #tpu.memory_space<vmem>> -> memref<32xi32, #tpu.memory_space<vmem>>
    %dma_wait3A_235 = arith.constant 0 : i32
    %dma_wait3A_236 = arith.constant 0 : i32
    %dma_wait3A_237 = tpu.memref_slice %arg2[%dma_wait3A_235, %dma_wait3A_236] : memref<8192x1024xf32, #tpu.memory_space<hbm>> -> memref<8192x1024xf32, #tpu.memory_space<hbm>>
    tpu.wait_indirect_dma semaphore(%arg9 : memref<!tpu.dma_semaphore, #tpu.memory_space<semaphore_mem>>) src(%dma_wait3A_237 : memref<8192x1024xf32, #tpu.memory_space<hbm>>) dst(%arg6 : memref<32x1024xf32, #tpu.memory_space<vmem>>)
    %add3A_238 = arith.constant 96 : i32
    %add3A_239 = arith.addi %add3A_35, %add3A_238 : i32
    %dma_start3A_240 = arith.constant 0 : i32
    %dma_start3A_241 = tpu.memref_slice %arg4[%add3A_239, %dma_start3A_240] : memref<8192x1024xf32, #tpu.memory_space<hbm>> -> memref<32x1024xf32, #tpu.memory_space<hbm>>
    %dma_start3A_242 = arith.constant 0 : i32
    %dma_start3A_243 = tpu.memref_slice %arg4[%add3A_239, %dma_start3A_242] : memref<8192x1024xf32, #tpu.memory_space<hbm>> -> memref<32x1024xf32, #tpu.memory_space<hbm>>
    tpu.enqueue_dma source(%arg6 : memref<32x1024xf32, #tpu.memory_space<vmem>>) target(%dma_start3A_243 : memref<32x1024xf32, #tpu.memory_space<hbm>>) target_semaphore(%arg12 : memref<!tpu.dma_semaphore, #tpu.memory_space<semaphore_mem>>)
    %dma_wait3A_244 = arith.constant 0 : i32
    %dma_wait3A_245 = tpu.memref_slice %arg4[%add3A_203, %dma_wait3A_244] : memref<8192x1024xf32, #tpu.memory_space<hbm>> -> memref<32x1024xf32, #tpu.memory_space<hbm>>
    %dma_wait3A_246 = arith.constant 0 : i32
    %dma_wait3A_247 = tpu.memref_slice %arg4[%add3A_203, %dma_wait3A_246] : memref<8192x1024xf32, #tpu.memory_space<hbm>> -> memref<32x1024xf32, #tpu.memory_space<hbm>>
    tpu.wait_dma2 semaphore(%arg13 : memref<!tpu.dma_semaphore, #tpu.memory_space<semaphore_mem>>) src(%arg7 : memref<32x1024xf32, #tpu.memory_space<vmem>>) dst(%dma_wait3A_247 : memref<32x1024xf32, #tpu.memory_space<hbm>>)
    %dma_start3A_248 = arith.constant 128 : i32
    %dma_start3A_249 = tpu.memref_slice %arg5[%dma_start3A_248] : memref<256xi32, #tpu.memory_space<vmem>> -> memref<32xi32, #tpu.memory_space<vmem>>
    %dma_start3A_250 = arith.constant 0 : i32
    %dma_start3A_251 = arith.constant 0 : i32
    %dma_start3A_252 = tpu.memref_slice %arg2[%dma_start3A_250, %dma_start3A_251] : memref<8192x1024xf32, #tpu.memory_space<hbm>> -> memref<8192x1024xf32, #tpu.memory_space<hbm>>
    tpu.enqueue_indirect_dma source(%dma_start3A_252 : memref<8192x1024xf32, #tpu.memory_space<hbm>>) target(%arg7 : memref<32x1024xf32, #tpu.memory_space<vmem>>) offsets(%dma_start3A_249 : memref<32xi32, #tpu.memory_space<vmem>>) semaphore(%arg10 : memref<!tpu.dma_semaphore, #tpu.memory_space<semaphore_mem>>)
    %dma_wait3A_253 = arith.constant 128 : i32
    %dma_wait3A_254 = tpu.memref_slice %arg5[%dma_wait3A_253] : memref<256xi32, #tpu.memory_space<vmem>> -> memref<32xi32, #tpu.memory_space<vmem>>
    %dma_wait3A_255 = arith.constant 0 : i32
    %dma_wait3A_256 = arith.constant 0 : i32
    %dma_wait3A_257 = tpu.memref_slice %arg2[%dma_wait3A_255, %dma_wait3A_256] : memref<8192x1024xf32, #tpu.memory_space<hbm>> -> memref<8192x1024xf32, #tpu.memory_space<hbm>>
    tpu.wait_indirect_dma semaphore(%arg10 : memref<!tpu.dma_semaphore, #tpu.memory_space<semaphore_mem>>) src(%dma_wait3A_257 : memref<8192x1024xf32, #tpu.memory_space<hbm>>) dst(%arg7 : memref<32x1024xf32, #tpu.memory_space<vmem>>)
    %add3A_258 = arith.constant 128 : i32
    %add3A_259 = arith.addi %add3A_35, %add3A_258 : i32
    %dma_start3A_260 = arith.constant 0 : i32
    %dma_start3A_261 = tpu.memref_slice %arg4[%add3A_259, %dma_start3A_260] : memref<8192x1024xf32, #tpu.memory_space<hbm>> -> memref<32x1024xf32, #tpu.memory_space<hbm>>
    %dma_start3A_262 = arith.constant 0 : i32
    %dma_start3A_263 = tpu.memref_slice %arg4[%add3A_259, %dma_start3A_262] : memref<8192x1024xf32, #tpu.memory_space<hbm>> -> memref<32x1024xf32, #tpu.memory_space<hbm>>
    tpu.enqueue_dma source(%arg7 : memref<32x1024xf32, #tpu.memory_space<vmem>>) target(%dma_start3A_263 : memref<32x1024xf32, #tpu.memory_space<hbm>>) target_semaphore(%arg13 : memref<!tpu.dma_semaphore, #tpu.memory_space<semaphore_mem>>)
    %dma_wait3A_264 = arith.constant 0 : i32
    %dma_wait3A_265 = tpu.memref_slice %arg4[%add3A_219, %dma_wait3A_264] : memref<8192x1024xf32, #tpu.memory_space<hbm>> -> memref<32x1024xf32, #tpu.memory_space<hbm>>
    %dma_wait3A_266 = arith.constant 0 : i32
    %dma_wait3A_267 = tpu.memref_slice %arg4[%add3A_219, %dma_wait3A_266] : memref<8192x1024xf32, #tpu.memory_space<hbm>> -> memref<32x1024xf32, #tpu.memory_space<hbm>>
    tpu.wait_dma2 semaphore(%arg14 : memref<!tpu.dma_semaphore, #tpu.memory_space<semaphore_mem>>) src(%arg8 : memref<32x1024xf32, #tpu.memory_space<vmem>>) dst(%dma_wait3A_267 : memref<32x1024xf32, #tpu.memory_space<hbm>>)
    %dma_start3A_268 = arith.constant 160 : i32
    %dma_start3A_269 = tpu.memref_slice %arg5[%dma_start3A_268] : memref<256xi32, #tpu.memory_space<vmem>> -> memref<32xi32, #tpu.memory_space<vmem>>
    %dma_start3A_270 = arith.constant 0 : i32
    %dma_start3A_271 = arith.constant 0 : i32
    %dma_start3A_272 = tpu.memref_slice %arg2[%dma_start3A_270, %dma_start3A_271] : memref<8192x1024xf32, #tpu.memory_space<hbm>> -> memref<8192x1024xf32, #tpu.memory_space<hbm>>
    tpu.enqueue_indirect_dma source(%dma_start3A_272 : memref<8192x1024xf32, #tpu.memory_space<hbm>>) target(%arg8 : memref<32x1024xf32, #tpu.memory_space<vmem>>) offsets(%dma_start3A_269 : memref<32xi32, #tpu.memory_space<vmem>>) semaphore(%arg11 : memref<!tpu.dma_semaphore, #tpu.memory_space<semaphore_mem>>)
    %dma_wait3A_273 = arith.constant 160 : i32
    %dma_wait3A_274 = tpu.memref_slice %arg5[%dma_wait3A_273] : memref<256xi32, #tpu.memory_space<vmem>> -> memref<32xi32, #tpu.memory_space<vmem>>
    %dma_wait3A_275 = arith.constant 0 : i32
    %dma_wait3A_276 = arith.constant 0 : i32
    %dma_wait3A_277 = tpu.memref_slice %arg2[%dma_wait3A_275, %dma_wait3A_276] : memref<8192x1024xf32, #tpu.memory_space<hbm>> -> memref<8192x1024xf32, #tpu.memory_space<hbm>>
    tpu.wait_indirect_dma semaphore(%arg11 : memref<!tpu.dma_semaphore, #tpu.memory_space<semaphore_mem>>) src(%dma_wait3A_277 : memref<8192x1024xf32, #tpu.memory_space<hbm>>) dst(%arg8 : memref<32x1024xf32, #tpu.memory_space<vmem>>)
    %add3A_278 = arith.constant 160 : i32
    %add3A_279 = arith.addi %add3A_35, %add3A_278 : i32
    %dma_start3A_280 = arith.constant 0 : i32
    %dma_start3A_281 = tpu.memref_slice %arg4[%add3A_279, %dma_start3A_280] : memref<8192x1024xf32, #tpu.memory_space<hbm>> -> memref<32x1024xf32, #tpu.memory_space<hbm>>
    %dma_start3A_282 = arith.constant 0 : i32
    %dma_start3A_283 = tpu.memref_slice %arg4[%add3A_279, %dma_start3A_282] : memref<8192x1024xf32, #tpu.memory_space<hbm>> -> memref<32x1024xf32, #tpu.memory_space<hbm>>
    tpu.enqueue_dma source(%arg8 : memref<32x1024xf32, #tpu.memory_space<vmem>>) target(%dma_start3A_283 : memref<32x1024xf32, #tpu.memory_space<hbm>>) target_semaphore(%arg14 : memref<!tpu.dma_semaphore, #tpu.memory_space<semaphore_mem>>)
    %dma_wait3A_284 = arith.constant 0 : i32
    %dma_wait3A_285 = tpu.memref_slice %arg4[%add3A_239, %dma_wait3A_284] : memref<8192x1024xf32, #tpu.memory_space<hbm>> -> memref<32x1024xf32, #tpu.memory_space<hbm>>
    %dma_wait3A_286 = arith.constant 0 : i32
    %dma_wait3A_287 = tpu.memref_slice %arg4[%add3A_239, %dma_wait3A_286] : memref<8192x1024xf32, #tpu.memory_space<hbm>> -> memref<32x1024xf32, #tpu.memory_space<hbm>>
    tpu.wait_dma2 semaphore(%arg12 : memref<!tpu.dma_semaphore, #tpu.memory_space<semaphore_mem>>) src(%arg6 : memref<32x1024xf32, #tpu.memory_space<vmem>>) dst(%dma_wait3A_287 : memref<32x1024xf32, #tpu.memory_space<hbm>>)
    %dma_start3A_288 = arith.constant 192 : i32
    %dma_start3A_289 = tpu.memref_slice %arg5[%dma_start3A_288] : memref<256xi32, #tpu.memory_space<vmem>> -> memref<32xi32, #tpu.memory_space<vmem>>
    %dma_start3A_290 = arith.constant 0 : i32
    %dma_start3A_291 = arith.constant 0 : i32
    %dma_start3A_292 = tpu.memref_slice %arg2[%dma_start3A_290, %dma_start3A_291] : memref<8192x1024xf32, #tpu.memory_space<hbm>> -> memref<8192x1024xf32, #tpu.memory_space<hbm>>
    tpu.enqueue_indirect_dma source(%dma_start3A_292 : memref<8192x1024xf32, #tpu.memory_space<hbm>>) target(%arg6 : memref<32x1024xf32, #tpu.memory_space<vmem>>) offsets(%dma_start3A_289 : memref<32xi32, #tpu.memory_space<vmem>>) semaphore(%arg9 : memref<!tpu.dma_semaphore, #tpu.memory_space<semaphore_mem>>)
    %dma_wait3A_293 = arith.constant 192 : i32
    %dma_wait3A_294 = tpu.memref_slice %arg5[%dma_wait3A_293] : memref<256xi32, #tpu.memory_space<vmem>> -> memref<32xi32, #tpu.memory_space<vmem>>
    %dma_wait3A_295 = arith.constant 0 : i32
    %dma_wait3A_296 = arith.constant 0 : i32
    %dma_wait3A_297 = tpu.memref_slice %arg2[%dma_wait3A_295, %dma_wait3A_296] : memref<8192x1024xf32, #tpu.memory_space<hbm>> -> memref<8192x1024xf32, #tpu.memory_space<hbm>>
    tpu.wait_indirect_dma semaphore(%arg9 : memref<!tpu.dma_semaphore, #tpu.memory_space<semaphore_mem>>) src(%dma_wait3A_297 : memref<8192x1024xf32, #tpu.memory_space<hbm>>) dst(%arg6 : memref<32x1024xf32, #tpu.memory_space<vmem>>)
    %add3A_298 = arith.constant 192 : i32
    %add3A_299 = arith.addi %add3A_35, %add3A_298 : i32
    %dma_start3A_300 = arith.constant 0 : i32
    %dma_start3A_301 = tpu.memref_slice %arg4[%add3A_299, %dma_start3A_300] : memref<8192x1024xf32, #tpu.memory_space<hbm>> -> memref<32x1024xf32, #tpu.memory_space<hbm>>
    %dma_start3A_302 = arith.constant 0 : i32
    %dma_start3A_303 = tpu.memref_slice %arg4[%add3A_299, %dma_start3A_302] : memref<8192x1024xf32, #tpu.memory_space<hbm>> -> memref<32x1024xf32, #tpu.memory_space<hbm>>
    tpu.enqueue_dma source(%arg6 : memref<32x1024xf32, #tpu.memory_space<vmem>>) target(%dma_start3A_303 : memref<32x1024xf32, #tpu.memory_space<hbm>>) target_semaphore(%arg12 : memref<!tpu.dma_semaphore, #tpu.memory_space<semaphore_mem>>)
    %dma_wait3A_304 = arith.constant 0 : i32
    %dma_wait3A_305 = tpu.memref_slice %arg4[%add3A_259, %dma_wait3A_304] : memref<8192x1024xf32, #tpu.memory_space<hbm>> -> memref<32x1024xf32, #tpu.memory_space<hbm>>
    %dma_wait3A_306 = arith.constant 0 : i32
    %dma_wait3A_307 = tpu.memref_slice %arg4[%add3A_259, %dma_wait3A_306] : memref<8192x1024xf32, #tpu.memory_space<hbm>> -> memref<32x1024xf32, #tpu.memory_space<hbm>>
    tpu.wait_dma2 semaphore(%arg13 : memref<!tpu.dma_semaphore, #tpu.memory_space<semaphore_mem>>) src(%arg7 : memref<32x1024xf32, #tpu.memory_space<vmem>>) dst(%dma_wait3A_307 : memref<32x1024xf32, #tpu.memory_space<hbm>>)
    %dma_start3A_308 = arith.constant 224 : i32
    %dma_start3A_309 = tpu.memref_slice %arg5[%dma_start3A_308] : memref<256xi32, #tpu.memory_space<vmem>> -> memref<32xi32, #tpu.memory_space<vmem>>
    %dma_start3A_310 = arith.constant 0 : i32
    %dma_start3A_311 = arith.constant 0 : i32
    %dma_start3A_312 = tpu.memref_slice %arg2[%dma_start3A_310, %dma_start3A_311] : memref<8192x1024xf32, #tpu.memory_space<hbm>> -> memref<8192x1024xf32, #tpu.memory_space<hbm>>
    tpu.enqueue_indirect_dma source(%dma_start3A_312 : memref<8192x1024xf32, #tpu.memory_space<hbm>>) target(%arg7 : memref<32x1024xf32, #tpu.memory_space<vmem>>) offsets(%dma_start3A_309 : memref<32xi32, #tpu.memory_space<vmem>>) semaphore(%arg10 : memref<!tpu.dma_semaphore, #tpu.memory_space<semaphore_mem>>)
    %dma_wait3A_313 = arith.constant 224 : i32
    %dma_wait3A_314 = tpu.memref_slice %arg5[%dma_wait3A_313] : memref<256xi32, #tpu.memory_space<vmem>> -> memref<32xi32, #tpu.memory_space<vmem>>
    %dma_wait3A_315 = arith.constant 0 : i32
    %dma_wait3A_316 = arith.constant 0 : i32
    %dma_wait3A_317 = tpu.memref_slice %arg2[%dma_wait3A_315, %dma_wait3A_316] : memref<8192x1024xf32, #tpu.memory_space<hbm>> -> memref<8192x1024xf32, #tpu.memory_space<hbm>>
    tpu.wait_indirect_dma semaphore(%arg10 : memref<!tpu.dma_semaphore, #tpu.memory_space<semaphore_mem>>) src(%dma_wait3A_317 : memref<8192x1024xf32, #tpu.memory_space<hbm>>) dst(%arg7 : memref<32x1024xf32, #tpu.memory_space<vmem>>)
    %add3A_318 = arith.constant 224 : i32
    %add3A_319 = arith.addi %add3A_35, %add3A_318 : i32
    %dma_start3A_320 = arith.constant 0 : i32
    %dma_start3A_321 = tpu.memref_slice %arg4[%add3A_319, %dma_start3A_320] : memref<8192x1024xf32, #tpu.memory_space<hbm>> -> memref<32x1024xf32, #tpu.memory_space<hbm>>
    %dma_start3A_322 = arith.constant 0 : i32
    %dma_start3A_323 = tpu.memref_slice %arg4[%add3A_319, %dma_start3A_322] : memref<8192x1024xf32, #tpu.memory_space<hbm>> -> memref<32x1024xf32, #tpu.memory_space<hbm>>
    tpu.enqueue_dma source(%arg7 : memref<32x1024xf32, #tpu.memory_space<vmem>>) target(%dma_start3A_323 : memref<32x1024xf32, #tpu.memory_space<hbm>>) target_semaphore(%arg13 : memref<!tpu.dma_semaphore, #tpu.memory_space<semaphore_mem>>)
    %dma_wait3A_324 = arith.constant 0 : i32
    %dma_wait3A_325 = tpu.memref_slice %arg4[%add3A_279, %dma_wait3A_324] : memref<8192x1024xf32, #tpu.memory_space<hbm>> -> memref<32x1024xf32, #tpu.memory_space<hbm>>
    %dma_wait3A_326 = arith.constant 0 : i32
    %dma_wait3A_327 = tpu.memref_slice %arg4[%add3A_279, %dma_wait3A_326] : memref<8192x1024xf32, #tpu.memory_space<hbm>> -> memref<32x1024xf32, #tpu.memory_space<hbm>>
    tpu.wait_dma2 semaphore(%arg14 : memref<!tpu.dma_semaphore, #tpu.memory_space<semaphore_mem>>) src(%arg8 : memref<32x1024xf32, #tpu.memory_space<vmem>>) dst(%dma_wait3A_327 : memref<32x1024xf32, #tpu.memory_space<hbm>>)
    %dma_wait3A_328 = arith.constant 0 : i32
    %dma_wait3A_329 = tpu.memref_slice %arg4[%add3A_299, %dma_wait3A_328] : memref<8192x1024xf32, #tpu.memory_space<hbm>> -> memref<32x1024xf32, #tpu.memory_space<hbm>>
    %dma_wait3A_330 = arith.constant 0 : i32
    %dma_wait3A_331 = tpu.memref_slice %arg4[%add3A_299, %dma_wait3A_330] : memref<8192x1024xf32, #tpu.memory_space<hbm>> -> memref<32x1024xf32, #tpu.memory_space<hbm>>
    tpu.wait_dma2 semaphore(%arg12 : memref<!tpu.dma_semaphore, #tpu.memory_space<semaphore_mem>>) src(%arg6 : memref<32x1024xf32, #tpu.memory_space<vmem>>) dst(%dma_wait3A_331 : memref<32x1024xf32, #tpu.memory_space<hbm>>)
    %dma_wait3A_332 = arith.constant 0 : i32
    %dma_wait3A_333 = tpu.memref_slice %arg4[%add3A_319, %dma_wait3A_332] : memref<8192x1024xf32, #tpu.memory_space<hbm>> -> memref<32x1024xf32, #tpu.memory_space<hbm>>
    %dma_wait3A_334 = arith.constant 0 : i32
    %dma_wait3A_335 = tpu.memref_slice %arg4[%add3A_319, %dma_wait3A_334] : memref<8192x1024xf32, #tpu.memory_space<hbm>> -> memref<32x1024xf32, #tpu.memory_space<hbm>>
    tpu.wait_dma2 semaphore(%arg13 : memref<!tpu.dma_semaphore, #tpu.memory_space<semaphore_mem>>) src(%arg7 : memref<32x1024xf32, #tpu.memory_space<vmem>>) dst(%dma_wait3A_335 : memref<32x1024xf32, #tpu.memory_space<hbm>>)
    return
  }
}

</mosaic_0001>

<sc_bundles>
// kernel: kernel.3.cloned.1.call-start
scs
__scs_entry_jumppad:
0x0: {  	(pc) =	sbr.rel $0x88, $3  }
0x1: {  	(tag) =	ssettag $0x0;
	lr =	simm.s32 $0x1  }
0x2: {  	[smem:$0x3F9F] =	sst lr;
	_ =	strace $0xD0000000  }
0x3: {  	_ = 	snop  }
0x4: {  	_ = 	snop  }
0x5: {  	_ = 	snop  }
0x6: {  	_ = 	snop  }
0x7: {  	_ = 	snop  }
__scs_overlays_trampoline_lowered:
0x8: {  	[smem:$0x3FAE] =	sst s0  }
0x9: {  	[smem:$0x3FAF] =	sst s1  }
0xa: {  	[smem:$0x3FB0] =	sst s2  }
0xb: {  	[smem:$0x3FB1] =	sst s3  }
0xc: {  	[smem:$0x3FB2] =	sst s4  }
0xd: {  	[smem:$0x3FB3] =	sst s5  }
0xe: {  	[smem:$0x3FB4] =	sst s6  }
0xf: {  	[smem:$0x3FB5] =	sst s7  }
0x10: {  	[smem:$0x3FB6] =	sst s8  }
0x11: {  	[smem:$0x3FB7] =	sst s9;
	s0 =	simm.s32 @!p0 $0x0  }
0x12: {  	s1 =	sld [smem:$0x3F9D];
	s0 =	simm.s32 @p0 $0x1  }
0x13: {  	[smem:$0x3FB8] =	sst s0;
	s0 =	simm.s32 @!p1 $0x0  }
0x14: {  	s2 =	sld [smem:$0x3F9C];
	s0 =	simm.s32 @p1 $0x1  }
0x15: {  	[smem:$0x3FB9] =	sst s0;
	s0 =	simm.s32 @!p2 $0x0  }
0x16: {  	s3 =	sld [smem:$0x3FDB];
	s0 =	simm.s32 @p2 $0x1  }
0x17: {  	s4 =	simm.s32 $0x1BF5;
	[smem:$0x3FBB] =	sst s0  }
0x18: {  	s0 =	sld [smem:$0x3F9E];
	_ =	swait.ge [sflag:s4], $0x0  }
0x19: {  	s7 =	sld [smem:$0x3F9F]  }
0x1a: {  	s8 =	sadd.s32 $0xFFFFE003, lr  }
0x1b: {  	s9 =	sadd.s32 $0xFFFFFEF7, lr;
	s5 =	simm.s32 $0xFFFFFFFF;
	p2 =	slt.u32 s8, $0xFFFFF086  }
0x1c: {  	p1 =	slt.u32 s9, $0xF7A;
	s5 =	simm.s32 @!p2 $0x0  }
0x1d: {  	s5 =	simm.s32 @p1 $0x1;
	p0 =	seq.s32 s7, s2  }
0x1e: {  	s7 =	smul.u32 @!p0 $0xF7A, s2;
	p2 =	seq.s32 @!p0 s5, $0x0  }
0x1f: {  	s9 =	smul.u32 $0xF7A, s1;
	s8 =	simm.s32 @!p0 $0x1BF5;
	p2 =	por !p2, p0  }
0x20: {  	[sflag:s8] =	ssyncset.s32 @!p0 $0xFFFFF086;
	s6 =	sadd.s32 @!p0 s3, s7;
	s7 =	simm.s32 @!p0 $0x108  }
0x21: {  	s3 =	sadd.s32 s3, s9;
	s6 =	sadd.s32 @!p0 $0x88, s6;
	s7 =	simm.s32 @p2 $0x1082  }
0x22: {  	[simem:s7], [sflag:s8] =	dma.local @!p0 [hbm:s6], $0xF7A  }
0x23: {  	s9 =	sor.u32 $0xD0000000, s2;
	s6 =	simm.s32 $0x108;
	_ =	swait.ge @!p0 [sflag:s8], $0x0  }
0x24: {  	s3 =	sadd.s32 $0x88, s3;
	s6 =	simm.s32 @!p1 $0x1082;
	[sflag:s4] =	ssyncset.s32 $0xFFFFF086  }
0x25: {  	[simem:s6], [sflag:s4] =	dma.local [hbm:s3], $0xF7A  }
0x26: {  	[smem:$0x3F9F] =	sst s1;
	(tag) =	ssettag s2;
	_ =	strace s9  }
0x27: {  	s1 =	sld [smem:$0x3FAF]  }
0x28: {  	s2 =	sld [smem:$0x3FB0]  }
0x29: {  	s4 =	sld [smem:$0x3FB2]  }
0x2a: {  	p0 =	seq.s32 s5, $0x0;
	s5 =	sld [smem:$0x3FB3]  }
0x2b: {  	s6 =	sld [smem:$0x3FB4]  }
0x2c: {  	s7 =	sld [smem:$0x3FB5]  }
0x2d: {  	s3 =	simm.s32 $0x108;
	s8 =	sld [smem:$0x3FB6]  }
0x2e: {  	s3 =	simm.s32 @!p0 $0x1082;
	s9 =	sld [smem:$0x3FB7]  }
0x2f: {  	lr =	sadd.s32 s0, s3;
	s0 =	sld [smem:$0x3FAE]  }
0x30: {  	s3 =	sld [smem:$0x3FB1]  }
0x31: {  	[smem:$0x3FBA] =	sst s10  }
0x32: {  	s10 =	sld [smem:$0x3FB8];
	_ =	sdelay $0x3  }
0x33: {  	p0 =	seq.s32 s10, $0x1;
	s10 =	sld [smem:$0x3FBA];
	_ =	sdelay $0x3  }
0x34: {  	[smem:$0x3FBA] =	sst s10  }
0x35: {  	s10 =	sld [smem:$0x3FB9];
	_ =	sdelay $0x3  }
0x36: {  	p1 =	seq.s32 s10, $0x1;
	s10 =	sld [smem:$0x3FBA];
	_ =	sdelay $0x3  }
0x37: {  	[smem:$0x3FBA] =	sst s10  }
0x38: {  	s10 =	sld [smem:$0x3FBB]  }
0x39: {  	_ = 	snop;
	(pc) =	sbr.ind lr, $3  }
0x3a: {  	_ = 	snop  }
0x3b: {  	_ = 	snop  }
0x3c: {  	p2 =	seq.s32 s10, $0x1;
	s10 =	sld [smem:$0x3FBA]  }
0x3d: {  	_ =	shalt  }
0x3e: {  	_ =	shalt  }
0x3f: {  	_ =	shalt  }
0x40: {  	_ =	shalt  }
0x41: {  	_ =	shalt  }
0x42: {  	_ =	shalt  }
0x43: {  	_ =	shalt  }
0x44: {  	_ =	shalt  }
0x45: {  	_ =	shalt  }
0x46: {  	_ =	shalt  }
0x47: {  	_ =	shalt  }
0x48: {  	_ =	shalt  }
0x49: {  	_ =	shalt  }
0x4a: {  	_ =	shalt  }
0x4b: {  	_ =	shalt  }
0x4c: {  	_ =	shalt  }
0x4d: {  	_ =	shalt  }
0x4e: {  	_ =	shalt  }
0x4f: {  	_ =	shalt  }
0x50: {  	_ =	shalt  }
0x51: {  	_ =	shalt  }
0x52: {  	_ =	shalt  }
0x53: {  	_ =	shalt  }
0x54: {  	_ =	shalt  }
0x55: {  	_ =	shalt  }
0x56: {  	_ =	shalt  }
0x57: {  	_ =	shalt  }
0x58: {  	_ =	shalt  }
0x59: {  	_ =	shalt  }
0x5a: {  	_ =	shalt  }
0x5b: {  	_ =	shalt  }
0x5c: {  	_ =	shalt  }
0x5d: {  	_ =	shalt  }
0x5e: {  	_ =	shalt  }
0x5f: {  	_ =	shalt  }
0x60: {  	_ =	shalt  }
0x61: {  	_ =	shalt  }
0x62: {  	_ =	shalt  }
0x63: {  	_ =	shalt  }
0x64: {  	_ =	shalt  }
0x65: {  	_ =	shalt  }
0x66: {  	_ =	shalt  }
0x67: {  	_ =	shalt  }
0x68: {  	_ =	shalt  }
0x69: {  	_ =	shalt  }
0x6a: {  	_ =	shalt  }
0x6b: {  	_ =	shalt  }
0x6c: {  	_ =	shalt  }
0x6d: {  	_ =	shalt  }
0x6e: {  	_ =	shalt  }
0x6f: {  	_ =	shalt  }
0x70: {  	_ =	shalt  }
0x71: {  	_ =	shalt  }
0x72: {  	_ =	shalt  }
0x73: {  	_ =	shalt  }
0x74: {  	_ =	shalt  }
0x75: {  	_ =	shalt  }
0x76: {  	_ =	shalt  }
0x77: {  	_ =	shalt  }
0x78: {  	_ =	shalt  }
0x79: {  	_ =	shalt  }
0x7a: {  	_ =	shalt  }
0x7b: {  	_ =	shalt  }
0x7c: {  	_ =	shalt  }
0x7d: {  	_ =	shalt  }
0x7e: {  	_ =	shalt  }
0x7f: {  	_ =	shalt  }
0x80: {  	_ =	shalt  }
0x81: {  	_ =	shalt  }
0x82: {  	_ =	shalt  }
0x83: {  	_ =	shalt  }
0x84: {  	_ =	shalt  }
0x85: {  	_ =	shalt  }
0x86: {  	_ =	shalt  }
0x87: {  	_ =	shalt  }
.Lfunc_end0:
.L_simem_size_0:
called_computation_lowered:
.L_overlay_start_0:
0x88: {  	s2 =	sld [smem:$0x3FD9]  }
0x89: {  	s3 =	sld [smem:$0x3FFE];
	_ =	sdelay $0x1  }
0x8a: {  	s1 =	srdreg.scid  }
0x8b: {  	s0 =	sand.u32 $0x1, s1  }
0x8c: {  	s18 =	sshll.u32 s0, $0xA;
	s2 =	sadd.s32 s3, s2  }
0x8d: {  	s2 =	sadd.s32 s2, s18  }
0x8e: {  	[smem:$0x3FC6] =	sst s2  }
0x8f: {  	_ = 	snop  }
0x90: {  	s2 =	sld [smem:$0x3FC9]  }
0x91: {  	s19 =	sld [smem:$0x3FC8]  }
0x92: {  	s4 =	sld [smem:$0x3FD0];
	(tm) =	ssettm $0x1  }
0x93: {  	s5 =	sld [smem:$0x3FFB];
	_ =	sdelay $0x3  }
0x94: {  	_ =	strace s5  }
0x95: {  	s5 =	sld [smem:$0x3FFC];
	_ =	sdelay $0x3  }
0x96: {  	_ =	strace s5  }
0x97: {  	s5 =	sld [smem:$0x3FFD];
	_ =	sdelay $0x3  }
0x98: {  	_ =	strace s5  }
0x99: {  	_ =	strace $0x8FFFFFFF  }
0x9a: {  	s20 =	sld [smem:$0x3FDB];
	_ =	sdelay $0x1  }
0x9b: {  	s6 =	simm.s32 $_scs_section_size  }
0x9c: {  	s7 =	simm.s32 $_size__tile_overlayer_lowered;
	s8 =	simm.s32 $_tile_overlayer_lowered  }
0x9d: {  	s23 =	simm.s32 $0x1BFF;
	s22 =	sshll.u32 s8, $0x1;
	s5 =	sadd.s32 s6, s20  }
0x9e: {  	s9 =	simm.s32 $0x0;
	s21 =	sshll.u32 s7, $0x1;
	s7 =	sadd.s32 s22, s5  }
0x9f: {  	[timem:s9], [sflag:s23] =	dma.local [hbm:s7], s21  }
0xa0: {  	_ =	swait.ge [sflag:s23], s21  }
0xa1: {  	s6 =	ssub.s32 $0x0, s21;
	[sflag:s23] =	ssyncset.done $0x0  }
0xa2: {  	[sflag:s23] =	ssyncadd.s32 s6;
	_ =	sdelay $0x1  }
0xa3: {  	s24 =	simm.s32 $0x1B8B  }
0xa4: {  	_ =	swait.ge [sflag:s24], $0x1  }
0xa5: {  	[sflag:s24] =	ssyncset.done $0x0  }
0xa6: {  	s25 =	simm.s32 $0x1B8E;
	[sflag:s24] =	ssyncadd.s32 $0xFFFFFFFF  }
0xa7: {  	s26 =	simm.s32 $execute0_lowered;
	[smem:$0x3FD2] =	sst s25  }
0xa8: {  	s6 =	sshll.u32 s26, $0x1;
	_ =	strace $0x80000046;
	[dreg:$0x1] =	wrdreg $0xFFFFFFFF  }
0xa9: {  	s28 =	simm.s32 $_size_execute0_lowered;
	s5 =	sadd.s32 s5, s6;
	[dreg:$0x0] =	wrdreg $0x0  }
0xaa: {  	s6 =	sshll.u32 s28, $0x1;
	[dreg:$0x2] =	wrdreg s5  }
0xab: {  	[dreg:$0x3] =	wrdreg s6  }
0xac: {  	[dreg:$0x4] =	wrdreg $0xC0  }
0xad: {  	_ =	task [dreg:s9], $0x5FFFF  }
0xae: {  	[dreg:$0x1] =	wrdreg $0xFFFFFFFF  }
0xaf: {  	[dreg:$0x0] =	wrdreg $0x60  }
0xb0: {  	[dreg:$0x2] =	wrdreg s2  }
0xb1: {  	[dreg:$0x3] =	wrdreg s19  }
0xb2: {  	[dreg:$0x4] =	wrdreg s4  }
0xb3: {  	[dreg:$0x5] =	wrdreg $0x9  }
0xb4: {  	_ =	task.clear_ibuf [dreg:s9], $0x6FFFF;
	_ =	strace $0x90000046  }
0xb5: {  	s29 =	simm.s32 $0x9;
	_ =	strace $0x80000048  }
0xb6: {  	_ =	swait.ge [sflag:s29], $0x1  }
0xb7: {  	[sflag:s29] =	ssyncadd.s32 $0xFFFFFFFF  }
0xb8: {  	_ =	strace $0x90000048  }
0xb9: {  	_ =	sfence  }
0xba: {  	s30 =	sld [smem:$0x0];
	_ =	sdelay $0x2  }
0xbb: {  	s31 =	sshll.u32 s1, $0xD;
	s1 =	sshrl.u32 s1, $0x2  }
0xbc: {  	s3 =	sand.u32 $0x4000, s31;
	s1 =	sadd.s32 s1, s30  }
0xbd: {  	s0 =	sor.u32 s3, s0;
	s1 =	sshll.u32 s1, $0x11  }
0xbe: {  	s0 =	sor.u32 s1, s0  }
0xbf: {  	s0 =	sadd.s32 $0x8F2B, s0  }
0xc0: {  	[sflag:s0] =	ssyncadd.remote.s32 $0x1  }
0xc1: {  	_ =	sfence.sel $0xFFFF  }
0xc2: {  	[dreg:$0x0] =	wrdreg $0xFFFFFFFF;
	(pc) =	sbr.abs _section_cstart, $3  }
0xc3: {  	[dreg:$0x1] =	wrdreg $0xFFFFFFFF  }
0xc4: {  	_ =	task.clear_ibuf [dreg:s9], $0x2FFFF;
	_ =	strace $0x9FFFFFFF  }
0xc5: {  	(tm) =	ssettm $0x7FFFFFFF  }
tec
execute0_lowered:
.L_overlay_start_1:
0x0: {  	(tag) =	ssettag $0x1  }
0x1: {  	s0 =	srdreg.scid;
	s2 =	rddreg [dreg:$0x1]  }
0x2: {  	s5 =	stileid.u32;
	s3 =	simm.s32 $0x1;
	s4 =	rddreg [dreg:$0x2]  }
0x3: {  	s31 =	simm.s32 $0x1;
	s9 =	simm.s32 $0x11900;
	s10 =	simm.s32 $0x12100  }
0x4: {  	s11 =	simm.s32 $0x12900;
	s12 =	simm.s32 $0x13100;
	s13 =	simm.s32 $0x13900  }
0x5: {  	s14 =	simm.s32 $0x14100;
	s15 =	simm.s32 $0x14900;
	s0 =	sand.u32 $0x1, s0  }
0x6: {  	s16 =	simm.s32 $0x15100;
	s17 =	simm.s32 $0x15900;
	s1 =	sor.u32 s0, s5  }
0x7: {  	s18 =	simm.s32 $0x16100;
	p1 =	seq.s32 s0, $0x1;
	p0 =	seq.s32 s1, $0x0  }
0x8: {  	s28 =	simm.s32 $0x17900;
	s29 =	simm.s32 $0x3;
	p0 =	por !p0, !p1  }
0x9: {  	s6 =	sshll.u32 s0, $0xF;
	s8 =	sshll.u32 s0, $0x5;
	p0 =	por !p0, !p0  }
0xa: {  	s0 =	ssub.s32 $0x2, s0;
	s1 =	rddreg [dreg:$0x0];
	s3 =	simm.s32 @!p0 $0x0  }
0xb: {  	s2 =	sadd.s32 s2, s8;
	s21 =	sshrl.u32 s0, $0x1;
	s5 =	ssub.s32 s5, s3  }
0xc: {  	s0 =	ssub.s32 s0, s21;
	s3 =	simm.s32 $0x0;
	s7 =	sshll.u32 s5, $0x10  }
0xd: {  	s8 =	smax.u32 s0, $0x1;
	[smem:$0x7FF] =	sst s3;
	s6 =	sor.u32 s6, s7  }
0xe: {  	s21 =	sshll.u32 s5, $0x9;
	_ =	strace $0x80000047;
	s7 =	sand.u32 $0x1FFF8000, s6  }
0xf: {  	[dreg:$0x4] =	wrdreg s2;
	s19 =	sadd.s32 s4, s6;
	s7 =	sadd.s32 s7, s4  }
0x10: {  	s5 =	sadd.s32 $0x100, s1;
	[dreg:$0x5] =	wrdreg s19;
	s20 =	sadd.s32 $0x1000, s7  }
0x11: {  	v0 =	vmov s21;
	s21 =	simm.s32 $0x8100;
	s22 =	sadd.s32 $0x2000, s7;
	[dreg:$0x6] =	wrdreg s20  }
0x12: {  	s2 =	simm.s32 $0x10900;
	s23 =	sadd.s32 $0x3000, s7;
	[dreg:$0x7] =	wrdreg s22  }
0x13: {  	s6 =	sadd.s32 $0x200, s1;
	s24 =	sadd.s32 $0x4000, s7;
	[dreg:$0x8] =	wrdreg s23  }
0x14: {  	s19 =	simm.s32 $0x2;
	s25 =	sadd.s32 $0x5000, s7;
	[dreg:$0x9] =	wrdreg s24  }
0x15: {  	s4 =	simm.s32 $0x11100;
	s26 =	sadd.s32 $0x6000, s7;
	[dreg:$0xa] =	wrdreg s25  }
0x16: {  	v3 =	vlaneseq.u32;
	s30 =	sadd.s32 $0x7000, s7;
	s7 =	sadd.s32 $0x300, s1;
	[dreg:$0xb] =	wrdreg s26  }
0x17: {  	vm0 =	vmmov $0xffff;
	v2 =	vshrl.u32 v3, $0x3;
	[dreg:$0xc] =	wrdreg s30;
	s22 =	simm.s32 $0x4;
	s23 =	simm.s32 $0x5  }
0x18: {  	v1 =	vand.u32 $0x7, v3;
	v3 =	vor.u32 $0x8, v3;
	v2 =	vmul.u32 $0x8, v2;
	s26 =	simm.s32 $0x100;
	s20 =	simm.s32 $0x16900;
	s24 =	simm.s32 $0x17100  }
.LBB2_1:
0x19: {  	s25 =	rddreg [dreg:$0x4];
	s0 =	simm.s32 $0x7  }
0x1a: {  	[tilespmem:s3], [sflag:$0x7] =	stream.linear.gather [hbm4b:s25+s3], $0x100, $0x38;
	[tilespmem:$0x18100] =	vst v63  }
0x1b: {  	_ =	swait.ge [sflag:s0], $0x100  }
0x1c: {  	[sflag:s0] =	ssyncset.done $0x0  }
0x1d: {  	[sflag:s0] =	ssyncadd.s32 $0xFFFFFF00  }
0x1e: {  	v4 =	vld [tilespmem:$0x0]  }
0x1f: {  	v5 =	vld [tilespmem:$0x10]  }
0x20: {  	v6 =	vld [tilespmem:$0x20]  }
0x21: {  	v7 =	vld [tilespmem:$0x30]  }
0x22: {  	v8 =	vld [tilespmem:$0x40]  }
0x23: {  	v10 =	vld [tilespmem:$0x50];
	v9 =	vadd.s32 v0, v4  }
0x24: {  	v11 =	vld [tilespmem:$0x60];
	v5 =	vadd.s32 v0, v5;
	[tilespmem:$0x0] =	vst v9  }
0x25: {  	v53 =	vld [tilespmem:$0x70];
	[tilespmem:$0x10] =	vst v5;
	v5 =	vadd.s32 v0, v6  }
0x26: {  	v54 =	vld [tilespmem:$0x80];
	[tilespmem:$0x20] =	vst v5;
	v5 =	vadd.s32 v0, v7  }
0x27: {  	v55 =	vld [tilespmem:$0x90];
	[tilespmem:$0x30] =	vst v5;
	v5 =	vadd.s32 v0, v8  }
0x28: {  	v56 =	vld [tilespmem:$0xA0];
	[tilespmem:$0x40] =	vst v5;
	v5 =	vadd.s32 v0, v10  }
0x29: {  	v57 =	vld [tilespmem:$0xB0];
	[tilespmem:$0x50] =	vst v5;
	v5 =	vadd.s32 v0, v11  }
0x2a: {  	v58 =	vld [tilespmem:$0xC0];
	v9 =	vshll.u32 v9, $0x3;
	[tilespmem:$0x60] =	vst v5;
	v5 =	vadd.s32 v0, v53  }
0x2b: {  	v59 =	vld [tilespmem:$0xD0];
	v4 =	vand.u32 $0x7, v4;
	v9 =	vand.u32 $0xFFFFFFC0, v9;
	[tilespmem:$0x70] =	vst v5;
	v5 =	vadd.s32 v0, v54  }
0x2c: {  	v60 =	vld [tilespmem:$0xE0];
	v4 =	vor.u32 v4, v9;
	[tilespmem:$0x80] =	vst v5;
	v5 =	vadd.s32 v0, v55  }
0x2d: {  	v61 =	vld [tilespmem:$0xF0];
	v62 =	vperm.xlane v4, v1;
	[tilespmem:$0x90] =	vst v5;
	v5 =	vadd.s32 v0, v56  }
0x2e: {  	[tilespmem:$0xA0] =	vst v5;
	v5 =	vadd.s32 v0, v57  }
0x2f: {  	v63 =	vadd.s32 v2, v62;
	[tilespmem:$0xB0] =	vst v5;
	v5 =	vadd.s32 v0, v58  }
0x30: {  	[tilespmem:$0xC0] =	vst v5;
	v5 =	vadd.s32 v0, v59  }
0x31: {  	[tilespmem:$0xD0] =	vst v5;
	v5 =	vadd.s32 v0, v60  }
0x32: {  	[tilespmem:$0xE0] =	vst v5;
	v5 =	vadd.s32 v0, v61  }
0x33: {  	[tilespmem:$0xF0] =	vst v5  }
0x34: {  	[tilespmem:s26], [sflag:$0x1] =	stream.indirect_vreg.gather [hbm4b:s1+s3], $0x80, v63, vm0, $0xb8;
	[tilespmem:$0x18100] =	vst v63  }
0x35: {  	s0 =	simm.s32 $0x900;
	v4 =	vperm.xlane v4, v3  }
0x36: {  	[tilespmem:s0], [sflag:$0x1] =	stream.indirect_vreg.gather [hbm4b:s5+s3], $0x80, v63, vm0, $0xb8;
	[tilespmem:$0x18100] =	vst v63  }
0x37: {  	s25 =	simm.s32 $0x1100;
	v4 =	vadd.s32 v2, v4  }
0x38: {  	[tilespmem:s25], [sflag:$0x1] =	stream.indirect_vreg.gather [hbm4b:s6+s3], $0x80, v63, vm0, $0xb8;
	[tilespmem:$0x18100] =	vst v63  }
0x39: {  	s25 =	simm.s32 $0x1900  }
0x3a: {  	[tilespmem:s25], [sflag:$0x1] =	stream.indirect_vreg.gather [hbm4b:s7+s3], $0x80, v63, vm0, $0xb8;
	[tilespmem:$0x18100] =	vst v63  }
0x3b: {  	s25 =	simm.s32 $0x2100  }
0x3c: {  	[tilespmem:s25], [sflag:$0x1] =	stream.indirect_vreg.gather [hbm4b:s1+s3], $0x80, v4, vm0, $0xb8;
	[tilespmem:$0x18100] =	vst v63  }
0x3d: {  	s25 =	simm.s32 $0x2900  }
0x3e: {  	[tilespmem:s25], [sflag:$0x1] =	stream.indirect_vreg.gather [hbm4b:s5+s3], $0x80, v4, vm0, $0xb8;
	[tilespmem:$0x18100] =	vst v63  }
0x3f: {  	s25 =	simm.s32 $0x3100  }
0x40: {  	[tilespmem:s25], [sflag:$0x1] =	stream.indirect_vreg.gather [hbm4b:s6+s3], $0x80, v4, vm0, $0xb8;
	[tilespmem:$0x18100] =	vst v63  }
0x41: {  	s25 =	simm.s32 $0x3900  }
0x42: {  	[tilespmem:s25], [sflag:$0x1] =	stream.indirect_vreg.gather [hbm4b:s7+s3], $0x80, v4, vm0, $0xb8;
	[tilespmem:$0x18100] =	vst v63  }
0x43: {  	v4 =	vld [tilespmem:$0x10];
	_ =	sdelay $0x4  }
0x44: {  	v5 =	vshll.u32 v4, $0x3  }
0x45: {  	v4 =	vand.u32 $0x7, v4;
	v5 =	vand.u32 $0xFFFFFFC0, v5  }
0x46: {  	v4 =	vor.u32 v4, v5  }
0x47: {  	v5 =	vperm.xlane v4, v1;
	_ =	sdelay $0x1  }
0x48: {  	v5 =	vadd.s32 v2, v5;
	_ =	sdelay $0x3  }
0x49: {  	s25 =	simm.s32 $0x4100  }
0x4a: {  	[tilespmem:s25], [sflag:$0x1] =	stream.indirect_vreg.gather [hbm4b:s1+s3], $0x80, v5, vm0, $0xb8;
	[tilespmem:$0x18100] =	vst v63  }
0x4b: {  	v4 =	vperm.xlane v4, v3;
	s25 =	simm.s32 $0x4900  }
0x4c: {  	[tilespmem:s25], [sflag:$0x1] =	stream.indirect_vreg.gather [hbm4b:s5+s3], $0x80, v5, vm0, $0xb8;
	[tilespmem:$0x18100] =	vst v63  }
0x4d: {  	v4 =	vadd.s32 v2, v4;
	s25 =	simm.s32 $0x5100  }
0x4e: {  	[tilespmem:s25], [sflag:$0x1] =	stream.indirect_vreg.gather [hbm4b:s6+s3], $0x80, v5, vm0, $0xb8;
	[tilespmem:$0x18100] =	vst v63  }
0x4f: {  	s25 =	simm.s32 $0x5900  }
0x50: {  	[tilespmem:s25], [sflag:$0x1] =	stream.indirect_vreg.gather [hbm4b:s7+s3], $0x80, v5, vm0, $0xb8;
	[tilespmem:$0x18100] =	vst v63  }
0x51: {  	s25 =	simm.s32 $0x6100  }
0x52: {  	[tilespmem:s25], [sflag:$0x1] =	stream.indirect_vreg.gather [hbm4b:s1+s3], $0x80, v4, vm0, $0xb8;
	[tilespmem:$0x18100] =	vst v63  }
0x53: {  	s25 =	simm.s32 $0x6900  }
0x54: {  	[tilespmem:s25], [sflag:$0x1] =	stream.indirect_vreg.gather [hbm4b:s5+s3], $0x80, v4, vm0, $0xb8;
	[tilespmem:$0x18100] =	vst v63  }
0x55: {  	s25 =	simm.s32 $0x7100  }
0x56: {  	[tilespmem:s25], [sflag:$0x1] =	stream.indirect_vreg.gather [hbm4b:s6+s3], $0x80, v4, vm0, $0xb8;
	[tilespmem:$0x18100] =	vst v63  }
0x57: {  	s25 =	simm.s32 $0x7900  }
0x58: {  	[tilespmem:s25], [sflag:$0x1] =	stream.indirect_vreg.gather [hbm4b:s7+s3], $0x80, v4, vm0, $0xb8;
	[tilespmem:$0x18100] =	vst v63  }
0x59: {  	_ =	swait.ge [sflag:s31], $0x8000  }
0x5a: {  	[sflag:s31] =	ssyncset.done $0x0  }
0x5b: {  	s0 =	rddreg [dreg:$0x5];
	[sflag:s31] =	ssyncadd.s32 $0xFFFF8000  }
0x5c: {  	[hbm4b:s0+s3] =	stream.linear.scatter [tilespmem:s26], [sflag:$0x4], $0x8000, $0x38;
	[tilespmem:$0x18100] =	vst v63  }
0x5d: {  	v4 =	vld [tilespmem:$0x20];
	_ =	sdelay $0x4  }
0x5e: {  	v5 =	vshll.u32 v4, $0x3  }
0x5f: {  	v4 =	vand.u32 $0x7, v4;
	v5 =	vand.u32 $0xFFFFFFC0, v5  }
0x60: {  	v4 =	vor.u32 v4, v5  }
0x61: {  	v5 =	vperm.xlane v4, v1;
	_ =	sdelay $0x1  }
0x62: {  	v5 =	vadd.s32 v2, v5;
	_ =	sdelay $0x4  }
0x63: {  	[tilespmem:s21], [sflag:$0x2] =	stream.indirect_vreg.gather [hbm4b:s1+s3], $0x80, v5, vm0, $0xb8;
	[tilespmem:$0x18100] =	vst v63  }
0x64: {  	s25 =	simm.s32 $0x8900;
	v4 =	vperm.xlane v4, v3  }
0x65: {  	[tilespmem:s25], [sflag:$0x2] =	stream.indirect_vreg.gather [hbm4b:s5+s3], $0x80, v5, vm0, $0xb8;
	[tilespmem:$0x18100] =	vst v63  }
0x66: {  	v4 =	vadd.s32 v2, v4;
	s25 =	simm.s32 $0x9100  }
0x67: {  	[tilespmem:s25], [sflag:$0x2] =	stream.indirect_vreg.gather [hbm4b:s6+s3], $0x80, v5, vm0, $0xb8;
	[tilespmem:$0x18100] =	vst v63  }
0x68: {  	s25 =	simm.s32 $0x9900  }
0x69: {  	[tilespmem:s25], [sflag:$0x2] =	stream.indirect_vreg.gather [hbm4b:s7+s3], $0x80, v5, vm0, $0xb8;
	[tilespmem:$0x18100] =	vst v63  }
0x6a: {  	s25 =	simm.s32 $0xA100  }
0x6b: {  	[tilespmem:s25], [sflag:$0x2] =	stream.indirect_vreg.gather [hbm4b:s1+s3], $0x80, v4, vm0, $0xb8;
	[tilespmem:$0x18100] =	vst v63  }
0x6c: {  	s25 =	simm.s32 $0xA900  }
0x6d: {  	[tilespmem:s25], [sflag:$0x2] =	stream.indirect_vreg.gather [hbm4b:s5+s3], $0x80, v4, vm0, $0xb8;
	[tilespmem:$0x18100] =	vst v63  }
0x6e: {  	s25 =	simm.s32 $0xB100  }
0x6f: {  	[tilespmem:s25], [sflag:$0x2] =	stream.indirect_vreg.gather [hbm4b:s6+s3], $0x80, v4, vm0, $0xb8;
	[tilespmem:$0x18100] =	vst v63  }
0x70: {  	s25 =	simm.s32 $0xB900  }
0x71: {  	[tilespmem:s25], [sflag:$0x2] =	stream.indirect_vreg.gather [hbm4b:s7+s3], $0x80, v4, vm0, $0xb8;
	[tilespmem:$0x18100] =	vst v63  }
0x72: {  	v4 =	vld [tilespmem:$0x30];
	_ =	sdelay $0x4  }
0x73: {  	v5 =	vshll.u32 v4, $0x3  }
0x74: {  	v4 =	vand.u32 $0x7, v4;
	v5 =	vand.u32 $0xFFFFFFC0, v5  }
0x75: {  	v4 =	vor.u32 v4, v5  }
0x76: {  	v5 =	vperm.xlane v4, v1;
	_ =	sdelay $0x1  }
0x77: {  	v5 =	vadd.s32 v2, v5;
	_ =	sdelay $0x3  }
0x78: {  	s25 =	simm.s32 $0xC100  }
0x79: {  	[tilespmem:s25], [sflag:$0x2] =	stream.indirect_vreg.gather [hbm4b:s1+s3], $0x80, v5, vm0, $0xb8;
	[tilespmem:$0x18100] =	vst v63  }
0x7a: {  	v4 =	vperm.xlane v4, v3;
	s25 =	simm.s32 $0xC900  }
0x7b: {  	[tilespmem:s25], [sflag:$0x2] =	stream.indirect_vreg.gather [hbm4b:s5+s3], $0x80, v5, vm0, $0xb8;
	[tilespmem:$0x18100] =	vst v63  }
0x7c: {  	v4 =	vadd.s32 v2, v4;
	s25 =	simm.s32 $0xD100  }
0x7d: {  	[tilespmem:s25], [sflag:$0x2] =	stream.indirect_vreg.gather [hbm4b:s6+s3], $0x80, v5, vm0, $0xb8;
	[tilespmem:$0x18100] =	vst v63  }
0x7e: {  	s25 =	simm.s32 $0xD900  }
0x7f: {  	[tilespmem:s25], [sflag:$0x2] =	stream.indirect_vreg.gather [hbm4b:s7+s3], $0x80, v5, vm0, $0xb8;
	[tilespmem:$0x18100] =	vst v63  }
0x80: {  	s25 =	simm.s32 $0xE100  }
0x81: {  	[tilespmem:s25], [sflag:$0x2] =	stream.indirect_vreg.gather [hbm4b:s1+s3], $0x80, v4, vm0, $0xb8;
	[tilespmem:$0x18100] =	vst v63  }
0x82: {  	s25 =	simm.s32 $0xE900  }
0x83: {  	[tilespmem:s25], [sflag:$0x2] =	stream.indirect_vreg.gather [hbm4b:s5+s3], $0x80, v4, vm0, $0xb8;
	[tilespmem:$0x18100] =	vst v63  }
0x84: {  	s25 =	simm.s32 $0xF100  }
0x85: {  	[tilespmem:s25], [sflag:$0x2] =	stream.indirect_vreg.gather [hbm4b:s6+s3], $0x80, v4, vm0, $0xb8;
	[tilespmem:$0x18100] =	vst v63  }
0x86: {  	s25 =	simm.s32 $0xF900  }
0x87: {  	[tilespmem:s25], [sflag:$0x2] =	stream.indirect_vreg.gather [hbm4b:s7+s3], $0x80, v4, vm0, $0xb8;
	[tilespmem:$0x18100] =	vst v63  }
0x88: {  	_ =	swait.ge [sflag:s19], $0x8000  }
0x89: {  	[sflag:s19] =	ssyncset.done $0x0  }
0x8a: {  	s0 =	rddreg [dreg:$0x6];
	[sflag:s19] =	ssyncadd.s32 $0xFFFF8000  }
0x8b: {  	[hbm4b:s0+s3] =	stream.linear.scatter [tilespmem:s21], [sflag:$0x5], $0x8000, $0x38;
	[tilespmem:$0x18100] =	vst v63  }
0x8c: {  	v4 =	vld [tilespmem:$0x40];
	_ =	sdelay $0x4  }
0x8d: {  	v5 =	vshll.u32 v4, $0x3  }
0x8e: {  	v4 =	vand.u32 $0x7, v4;
	v5 =	vand.u32 $0xFFFFFFC0, v5  }
0x8f: {  	v4 =	vor.u32 v4, v5  }
0x90: {  	v5 =	vperm.xlane v4, v1;
	_ =	sdelay $0x1  }
0x91: {  	v5 =	vadd.s32 v2, v5;
	_ =	sdelay $0x3  }
0x92: {  	s0 =	simm.s32 $0x10100  }
0x93: {  	[tilespmem:s0], [sflag:$0x3] =	stream.indirect_vreg.gather [hbm4b:s1+s3], $0x80, v5, vm0, $0xb8;
	[tilespmem:$0x18100] =	vst v63  }
0x94: {  	v4 =	vperm.xlane v4, v3  }
0x95: {  	[tilespmem:s2], [sflag:$0x3] =	stream.indirect_vreg.gather [hbm4b:s5+s3], $0x80, v5, vm0, $0xb8;
	[tilespmem:$0x18100] =	vst v63  }
0x96: {  	v4 =	vadd.s32 v2, v4  }
0x97: {  	[tilespmem:s4], [sflag:$0x3] =	stream.indirect_vreg.gather [hbm4b:s6+s3], $0x80, v5, vm0, $0xb8;
	[tilespmem:$0x18100] =	vst v63  }
0x98: {  	_ = 	snop  }
0x99: {  	[tilespmem:s9], [sflag:$0x3] =	stream.indirect_vreg.gather [hbm4b:s7+s3], $0x80, v5, vm0, $0xb8;
	[tilespmem:$0x18100] =	vst v63  }
0x9a: {  	_ = 	snop  }
0x9b: {  	[tilespmem:s10], [sflag:$0x3] =	stream.indirect_vreg.gather [hbm4b:s1+s3], $0x80, v4, vm0, $0xb8;
	[tilespmem:$0x18100] =	vst v63  }
0x9c: {  	_ = 	snop  }
0x9d: {  	[tilespmem:s11], [sflag:$0x3] =	stream.indirect_vreg.gather [hbm4b:s5+s3], $0x80, v4, vm0, $0xb8;
	[tilespmem:$0x18100] =	vst v63  }
0x9e: {  	_ = 	snop  }
0x9f: {  	[tilespmem:s12], [sflag:$0x3] =	stream.indirect_vreg.gather [hbm4b:s6+s3], $0x80, v4, vm0, $0xb8;
	[tilespmem:$0x18100] =	vst v63  }
0xa0: {  	_ = 	snop  }
0xa1: {  	[tilespmem:s13], [sflag:$0x3] =	stream.indirect_vreg.gather [hbm4b:s7+s3], $0x80, v4, vm0, $0xb8;
	[tilespmem:$0x18100] =	vst v63  }
0xa2: {  	v4 =	vld [tilespmem:$0x50];
	_ =	sdelay $0x4  }
0xa3: {  	v5 =	vshll.u32 v4, $0x3  }
0xa4: {  	v4 =	vand.u32 $0x7, v4;
	v5 =	vand.u32 $0xFFFFFFC0, v5  }
0xa5: {  	v4 =	vor.u32 v4, v5  }
0xa6: {  	v5 =	vperm.xlane v4, v1;
	_ =	sdelay $0x1  }
0xa7: {  	v5 =	vadd.s32 v2, v5;
	_ =	sdelay $0x4  }
0xa8: {  	[tilespmem:s14], [sflag:$0x3] =	stream.indirect_vreg.gather [hbm4b:s1+s3], $0x80, v5, vm0, $0xb8;
	[tilespmem:$0x18100] =	vst v63  }
0xa9: {  	v4 =	vperm.xlane v4, v3  }
0xaa: {  	[tilespmem:s15], [sflag:$0x3] =	stream.indirect_vreg.gather [hbm4b:s5+s3], $0x80, v5, vm0, $0xb8;
	[tilespmem:$0x18100] =	vst v63  }
0xab: {  	v4 =	vadd.s32 v2, v4  }
0xac: {  	[tilespmem:s16], [sflag:$0x3] =	stream.indirect_vreg.gather [hbm4b:s6+s3], $0x80, v5, vm0, $0xb8;
	[tilespmem:$0x18100] =	vst v63  }
0xad: {  	_ = 	snop  }
0xae: {  	[tilespmem:s17], [sflag:$0x3] =	stream.indirect_vreg.gather [hbm4b:s7+s3], $0x80, v5, vm0, $0xb8;
	[tilespmem:$0x18100] =	vst v63  }
0xaf: {  	_ = 	snop  }
0xb0: {  	[tilespmem:s18], [sflag:$0x3] =	stream.indirect_vreg.gather [hbm4b:s1+s3], $0x80, v4, vm0, $0xb8;
	[tilespmem:$0x18100] =	vst v63  }
0xb1: {  	_ = 	snop  }
0xb2: {  	[tilespmem:s20], [sflag:$0x3] =	stream.indirect_vreg.gather [hbm4b:s5+s3], $0x80, v4, vm0, $0xb8;
	[tilespmem:$0x18100] =	vst v63  }
0xb3: {  	_ = 	snop  }
0xb4: {  	[tilespmem:s24], [sflag:$0x3] =	stream.indirect_vreg.gather [hbm4b:s6+s3], $0x80, v4, vm0, $0xb8;
	[tilespmem:$0x18100] =	vst v63  }
0xb5: {  	_ = 	snop  }
0xb6: {  	[tilespmem:s28], [sflag:$0x3] =	stream.indirect_vreg.gather [hbm4b:s7+s3], $0x80, v4, vm0, $0xb8;
	[tilespmem:$0x18100] =	vst v63  }
0xb7: {  	_ =	swait.ge [sflag:s29], $0x8000  }
0xb8: {  	[sflag:s29] =	ssyncset.done $0x0  }
0xb9: {  	s25 =	rddreg [dreg:$0x7];
	[sflag:s29] =	ssyncadd.s32 $0xFFFF8000  }
0xba: {  	[hbm4b:s25+s3] =	stream.linear.scatter [tilespmem:s0], [sflag:$0x6], $0x8000, $0x38;
	[tilespmem:$0x18100] =	vst v63  }
0xbb: {  	_ =	swait.ge [sflag:s22], $0x8000  }
0xbc: {  	[sflag:s22] =	ssyncset.done $0x0  }
0xbd: {  	[sflag:s22] =	ssyncadd.s32 $0xFFFF8000  }
0xbe: {  	v4 =	vld [tilespmem:$0x60];
	_ =	sdelay $0x4  }
0xbf: {  	v5 =	vshll.u32 v4, $0x3  }
0xc0: {  	v4 =	vand.u32 $0x7, v4;
	v5 =	vand.u32 $0xFFFFFFC0, v5  }
0xc1: {  	v4 =	vor.u32 v4, v5  }
0xc2: {  	v5 =	vperm.xlane v4, v1;
	_ =	sdelay $0x1  }
0xc3: {  	v5 =	vadd.s32 v2, v5;
	_ =	sdelay $0x4  }
0xc4: {  	[tilespmem:s26], [sflag:$0x1] =	stream.indirect_vreg.gather [hbm4b:s1+s3], $0x80, v5, vm0, $0xb8;
	[tilespmem:$0x18100] =	vst v63  }
0xc5: {  	s30 =	simm.s32 $0x900;
	v4 =	vperm.xlane v4, v3  }
0xc6: {  	[tilespmem:s30], [sflag:$0x1] =	stream.indirect_vreg.gather [hbm4b:s5+s3], $0x80, v5, vm0, $0xb8;
	[tilespmem:$0x18100] =	vst v63  }
0xc7: {  	v4 =	vadd.s32 v2, v4;
	s30 =	simm.s32 $0x1100  }
0xc8: {  	[tilespmem:s30], [sflag:$0x1] =	stream.indirect_vreg.gather [hbm4b:s6+s3], $0x80, v5, vm0, $0xb8;
	[tilespmem:$0x18100] =	vst v63  }
0xc9: {  	s30 =	simm.s32 $0x1900  }
0xca: {  	[tilespmem:s30], [sflag:$0x1] =	stream.indirect_vreg.gather [hbm4b:s7+s3], $0x80, v5, vm0, $0xb8;
	[tilespmem:$0x18100] =	vst v63  }
0xcb: {  	s30 =	simm.s32 $0x2100  }
0xcc: {  	[tilespmem:s30], [sflag:$0x1] =	stream.indirect_vreg.gather [hbm4b:s1+s3], $0x80, v4, vm0, $0xb8;
	[tilespmem:$0x18100] =	vst v63  }
0xcd: {  	s30 =	simm.s32 $0x2900  }
0xce: {  	[tilespmem:s30], [sflag:$0x1] =	stream.indirect_vreg.gather [hbm4b:s5+s3], $0x80, v4, vm0, $0xb8;
	[tilespmem:$0x18100] =	vst v63  }
0xcf: {  	s30 =	simm.s32 $0x3100  }
0xd0: {  	[tilespmem:s30], [sflag:$0x1] =	stream.indirect_vreg.gather [hbm4b:s6+s3], $0x80, v4, vm0, $0xb8;
	[tilespmem:$0x18100] =	vst v63  }
0xd1: {  	s30 =	simm.s32 $0x3900  }
0xd2: {  	[tilespmem:s30], [sflag:$0x1] =	stream.indirect_vreg.gather [hbm4b:s7+s3], $0x80, v4, vm0, $0xb8;
	[tilespmem:$0x18100] =	vst v63  }
0xd3: {  	v4 =	vld [tilespmem:$0x70];
	_ =	sdelay $0x4  }
0xd4: {  	v5 =	vshll.u32 v4, $0x3  }
0xd5: {  	v4 =	vand.u32 $0x7, v4;
	v5 =	vand.u32 $0xFFFFFFC0, v5  }
0xd6: {  	v4 =	vor.u32 v4, v5  }
0xd7: {  	v5 =	vperm.xlane v4, v1;
	_ =	sdelay $0x1  }
0xd8: {  	v5 =	vadd.s32 v2, v5;
	_ =	sdelay $0x3  }
0xd9: {  	s30 =	simm.s32 $0x4100  }
0xda: {  	[tilespmem:s30], [sflag:$0x1] =	stream.indirect_vreg.gather [hbm4b:s1+s3], $0x80, v5, vm0, $0xb8;
	[tilespmem:$0x18100] =	vst v63  }
0xdb: {  	v4 =	vperm.xlane v4, v3;
	s30 =	simm.s32 $0x4900  }
0xdc: {  	[tilespmem:s30], [sflag:$0x1] =	stream.indirect_vreg.gather [hbm4b:s5+s3], $0x80, v5, vm0, $0xb8;
	[tilespmem:$0x18100] =	vst v63  }
0xdd: {  	v4 =	vadd.s32 v2, v4;
	s30 =	simm.s32 $0x5100  }
0xde: {  	[tilespmem:s30], [sflag:$0x1] =	stream.indirect_vreg.gather [hbm4b:s6+s3], $0x80, v5, vm0, $0xb8;
	[tilespmem:$0x18100] =	vst v63  }
0xdf: {  	s30 =	simm.s32 $0x5900  }
0xe0: {  	[tilespmem:s30], [sflag:$0x1] =	stream.indirect_vreg.gather [hbm4b:s7+s3], $0x80, v5, vm0, $0xb8;
	[tilespmem:$0x18100] =	vst v63  }
0xe1: {  	s30 =	simm.s32 $0x6100  }
0xe2: {  	[tilespmem:s30], [sflag:$0x1] =	stream.indirect_vreg.gather [hbm4b:s1+s3], $0x80, v4, vm0, $0xb8;
	[tilespmem:$0x18100] =	vst v63  }
0xe3: {  	s30 =	simm.s32 $0x6900  }
0xe4: {  	[tilespmem:s30], [sflag:$0x1] =	stream.indirect_vreg.gather [hbm4b:s5+s3], $0x80, v4, vm0, $0xb8;
	[tilespmem:$0x18100] =	vst v63  }
0xe5: {  	s30 =	simm.s32 $0x7100  }
0xe6: {  	[tilespmem:s30], [sflag:$0x1] =	stream.indirect_vreg.gather [hbm4b:s6+s3], $0x80, v4, vm0, $0xb8;
	[tilespmem:$0x18100] =	vst v63  }
0xe7: {  	s30 =	simm.s32 $0x7900  }
0xe8: {  	[tilespmem:s30], [sflag:$0x1] =	stream.indirect_vreg.gather [hbm4b:s7+s3], $0x80, v4, vm0, $0xb8;
	[tilespmem:$0x18100] =	vst v63  }
0xe9: {  	_ =	swait.ge [sflag:s31], $0x8000  }
0xea: {  	[sflag:s31] =	ssyncset.done $0x0  }
0xeb: {  	s30 =	rddreg [dreg:$0x8];
	[sflag:s31] =	ssyncadd.s32 $0xFFFF8000  }
0xec: {  	[hbm4b:s30+s3] =	stream.linear.scatter [tilespmem:s26], [sflag:$0x4], $0x8000, $0x38;
	[tilespmem:$0x18100] =	vst v63  }
0xed: {  	_ =	swait.ge [sflag:s23], $0x8000  }
0xee: {  	[sflag:s23] =	ssyncset.done $0x0  }
0xef: {  	[sflag:s23] =	ssyncadd.s32 $0xFFFF8000  }
0xf0: {  	v4 =	vld [tilespmem:$0x80];
	_ =	sdelay $0x4  }
0xf1: {  	v5 =	vshll.u32 v4, $0x3  }
0xf2: {  	v4 =	vand.u32 $0x7, v4;
	v5 =	vand.u32 $0xFFFFFFC0, v5  }
0xf3: {  	v4 =	vor.u32 v4, v5  }
0xf4: {  	v5 =	vperm.xlane v4, v1;
	_ =	sdelay $0x1  }
0xf5: {  	v5 =	vadd.s32 v2, v5;
	_ =	sdelay $0x4  }
0xf6: {  	[tilespmem:s21], [sflag:$0x2] =	stream.indirect_vreg.gather [hbm4b:s1+s3], $0x80, v5, vm0, $0xb8;
	[tilespmem:$0x18100] =	vst v63  }
0xf7: {  	s30 =	simm.s32 $0x8900;
	v4 =	vperm.xlane v4, v3  }
0xf8: {  	[tilespmem:s30], [sflag:$0x2] =	stream.indirect_vreg.gather [hbm4b:s5+s3], $0x80, v5, vm0, $0xb8;
	[tilespmem:$0x18100] =	vst v63  }
0xf9: {  	v4 =	vadd.s32 v2, v4;
	s30 =	simm.s32 $0x9100  }
0xfa: {  	[tilespmem:s30], [sflag:$0x2] =	stream.indirect_vreg.gather [hbm4b:s6+s3], $0x80, v5, vm0, $0xb8;
	[tilespmem:$0x18100] =	vst v63  }
0xfb: {  	s30 =	simm.s32 $0x9900  }
0xfc: {  	[tilespmem:s30], [sflag:$0x2] =	stream.indirect_vreg.gather [hbm4b:s7+s3], $0x80, v5, vm0, $0xb8;
	[tilespmem:$0x18100] =	vst v63  }
0xfd: {  	s30 =	simm.s32 $0xA100  }
0xfe: {  	[tilespmem:s30], [sflag:$0x2] =	stream.indirect_vreg.gather [hbm4b:s1+s3], $0x80, v4, vm0, $0xb8;
	[tilespmem:$0x18100] =	vst v63  }
0xff: {  	s30 =	simm.s32 $0xA900  }
0x100: {  	[tilespmem:s30], [sflag:$0x2] =	stream.indirect_vreg.gather [hbm4b:s5+s3], $0x80, v4, vm0, $0xb8;
	[tilespmem:$0x18100] =	vst v63  }
0x101: {  	s30 =	simm.s32 $0xB100  }
0x102: {  	[tilespmem:s30], [sflag:$0x2] =	stream.indirect_vreg.gather [hbm4b:s6+s3], $0x80, v4, vm0, $0xb8;
	[tilespmem:$0x18100] =	vst v63  }
0x103: {  	s30 =	simm.s32 $0xB900  }
0x104: {  	[tilespmem:s30], [sflag:$0x2] =	stream.indirect_vreg.gather [hbm4b:s7+s3], $0x80, v4, vm0, $0xb8;
	[tilespmem:$0x18100] =	vst v63  }
0x105: {  	v4 =	vld [tilespmem:$0x90];
	_ =	sdelay $0x4  }
0x106: {  	v5 =	vshll.u32 v4, $0x3  }
0x107: {  	v4 =	vand.u32 $0x7, v4;
	v5 =	vand.u32 $0xFFFFFFC0, v5  }
0x108: {  	v4 =	vor.u32 v4, v5  }
0x109: {  	v5 =	vperm.xlane v4, v1;
	_ =	sdelay $0x1  }
0x10a: {  	v5 =	vadd.s32 v2, v5;
	_ =	sdelay $0x3  }
0x10b: {  	s30 =	simm.s32 $0xC100  }
0x10c: {  	[tilespmem:s30], [sflag:$0x2] =	stream.indirect_vreg.gather [hbm4b:s1+s3], $0x80, v5, vm0, $0xb8;
	[tilespmem:$0x18100] =	vst v63  }
0x10d: {  	v4 =	vperm.xlane v4, v3;
	s30 =	simm.s32 $0xC900  }
0x10e: {  	[tilespmem:s30], [sflag:$0x2] =	stream.indirect_vreg.gather [hbm4b:s5+s3], $0x80, v5, vm0, $0xb8;
	[tilespmem:$0x18100] =	vst v63  }
0x10f: {  	v4 =	vadd.s32 v2, v4;
	s30 =	simm.s32 $0xD100  }
0x110: {  	[tilespmem:s30], [sflag:$0x2] =	stream.indirect_vreg.gather [hbm4b:s6+s3], $0x80, v5, vm0, $0xb8;
	[tilespmem:$0x18100] =	vst v63  }
0x111: {  	s30 =	simm.s32 $0xD900  }
0x112: {  	[tilespmem:s30], [sflag:$0x2] =	stream.indirect_vreg.gather [hbm4b:s7+s3], $0x80, v5, vm0, $0xb8;
	[tilespmem:$0x18100] =	vst v63  }
0x113: {  	s30 =	simm.s32 $0xE100  }
0x114: {  	[tilespmem:s30], [sflag:$0x2] =	stream.indirect_vreg.gather [hbm4b:s1+s3], $0x80, v4, vm0, $0xb8;
	[tilespmem:$0x18100] =	vst v63  }
0x115: {  	s30 =	simm.s32 $0xE900  }
0x116: {  	[tilespmem:s30], [sflag:$0x2] =	stream.indirect_vreg.gather [hbm4b:s5+s3], $0x80, v4, vm0, $0xb8;
	[tilespmem:$0x18100] =	vst v63  }
0x117: {  	s30 =	simm.s32 $0xF100  }
0x118: {  	[tilespmem:s30], [sflag:$0x2] =	stream.indirect_vreg.gather [hbm4b:s6+s3], $0x80, v4, vm0, $0xb8;
	[tilespmem:$0x18100] =	vst v63  }
0x119: {  	s30 =	simm.s32 $0xF900  }
0x11a: {  	[tilespmem:s30], [sflag:$0x2] =	stream.indirect_vreg.gather [hbm4b:s7+s3], $0x80, v4, vm0, $0xb8;
	[tilespmem:$0x18100] =	vst v63  }
0x11b: {  	_ =	swait.ge [sflag:s19], $0x8000  }
0x11c: {  	[sflag:s19] =	ssyncset.done $0x0  }
0x11d: {  	s30 =	rddreg [dreg:$0x9];
	[sflag:s19] =	ssyncadd.s32 $0xFFFF8000  }
0x11e: {  	[hbm4b:s30+s3] =	stream.linear.scatter [tilespmem:s21], [sflag:$0x5], $0x8000, $0x38;
	[tilespmem:$0x18100] =	vst v63  }
0x11f: {  	s30 =	simm.s32 $0x6  }
0x120: {  	_ =	swait.ge [sflag:s30], $0x8000  }
0x121: {  	[sflag:s30] =	ssyncset.done $0x0  }
0x122: {  	[sflag:s30] =	ssyncadd.s32 $0xFFFF8000  }
0x123: {  	v4 =	vld [tilespmem:$0xA0];
	_ =	sdelay $0x4  }
0x124: {  	v5 =	vshll.u32 v4, $0x3  }
0x125: {  	v4 =	vand.u32 $0x7, v4;
	v5 =	vand.u32 $0xFFFFFFC0, v5  }
0x126: {  	v4 =	vor.u32 v4, v5  }
0x127: {  	v5 =	vperm.xlane v4, v1;
	_ =	sdelay $0x1  }
0x128: {  	v5 =	vadd.s32 v2, v5;
	_ =	sdelay $0x4  }
0x129: {  	[tilespmem:s0], [sflag:$0x3] =	stream.indirect_vreg.gather [hbm4b:s1+s3], $0x80, v5, vm0, $0xb8;
	[tilespmem:$0x18100] =	vst v63  }
0x12a: {  	v4 =	vperm.xlane v4, v3  }
0x12b: {  	[tilespmem:s2], [sflag:$0x3] =	stream.indirect_vreg.gather [hbm4b:s5+s3], $0x80, v5, vm0, $0xb8;
	[tilespmem:$0x18100] =	vst v63  }
0x12c: {  	v4 =	vadd.s32 v2, v4  }
0x12d: {  	[tilespmem:s4], [sflag:$0x3] =	stream.indirect_vreg.gather [hbm4b:s6+s3], $0x80, v5, vm0, $0xb8;
	[tilespmem:$0x18100] =	vst v63  }
0x12e: {  	_ = 	snop  }
0x12f: {  	[tilespmem:s9], [sflag:$0x3] =	stream.indirect_vreg.gather [hbm4b:s7+s3], $0x80, v5, vm0, $0xb8;
	[tilespmem:$0x18100] =	vst v63  }
0x130: {  	_ = 	snop  }
0x131: {  	[tilespmem:s10], [sflag:$0x3] =	stream.indirect_vreg.gather [hbm4b:s1+s3], $0x80, v4, vm0, $0xb8;
	[tilespmem:$0x18100] =	vst v63  }
0x132: {  	_ = 	snop  }
0x133: {  	[tilespmem:s11], [sflag:$0x3] =	stream.indirect_vreg.gather [hbm4b:s5+s3], $0x80, v4, vm0, $0xb8;
	[tilespmem:$0x18100] =	vst v63  }
0x134: {  	_ = 	snop  }
0x135: {  	[tilespmem:s12], [sflag:$0x3] =	stream.indirect_vreg.gather [hbm4b:s6+s3], $0x80, v4, vm0, $0xb8;
	[tilespmem:$0x18100] =	vst v63  }
0x136: {  	_ = 	snop  }
0x137: {  	[tilespmem:s13], [sflag:$0x3] =	stream.indirect_vreg.gather [hbm4b:s7+s3], $0x80, v4, vm0, $0xb8;
	[tilespmem:$0x18100] =	vst v63  }
0x138: {  	v4 =	vld [tilespmem:$0xB0];
	_ =	sdelay $0x4  }
0x139: {  	v5 =	vshll.u32 v4, $0x3  }
0x13a: {  	v4 =	vand.u32 $0x7, v4;
	v5 =	vand.u32 $0xFFFFFFC0, v5  }
0x13b: {  	v4 =	vor.u32 v4, v5  }
0x13c: {  	v5 =	vperm.xlane v4, v1;
	_ =	sdelay $0x1  }
0x13d: {  	v5 =	vadd.s32 v2, v5;
	_ =	sdelay $0x4  }
0x13e: {  	[tilespmem:s14], [sflag:$0x3] =	stream.indirect_vreg.gather [hbm4b:s1+s3], $0x80, v5, vm0, $0xb8;
	[tilespmem:$0x18100] =	vst v63  }
0x13f: {  	v4 =	vperm.xlane v4, v3  }
0x140: {  	[tilespmem:s15], [sflag:$0x3] =	stream.indirect_vreg.gather [hbm4b:s5+s3], $0x80, v5, vm0, $0xb8;
	[tilespmem:$0x18100] =	vst v63  }
0x141: {  	v4 =	vadd.s32 v2, v4  }
0x142: {  	[tilespmem:s16], [sflag:$0x3] =	stream.indirect_vreg.gather [hbm4b:s6+s3], $0x80, v5, vm0, $0xb8;
	[tilespmem:$0x18100] =	vst v63  }
0x143: {  	_ = 	snop  }
0x144: {  	[tilespmem:s17], [sflag:$0x3] =	stream.indirect_vreg.gather [hbm4b:s7+s3], $0x80, v5, vm0, $0xb8;
	[tilespmem:$0x18100] =	vst v63  }
0x145: {  	_ = 	snop  }
0x146: {  	[tilespmem:s18], [sflag:$0x3] =	stream.indirect_vreg.gather [hbm4b:s1+s3], $0x80, v4, vm0, $0xb8;
	[tilespmem:$0x18100] =	vst v63  }
0x147: {  	_ = 	snop  }
0x148: {  	[tilespmem:s20], [sflag:$0x3] =	stream.indirect_vreg.gather [hbm4b:s5+s3], $0x80, v4, vm0, $0xb8;
	[tilespmem:$0x18100] =	vst v63  }
0x149: {  	_ = 	snop  }
0x14a: {  	[tilespmem:s24], [sflag:$0x3] =	stream.indirect_vreg.gather [hbm4b:s6+s3], $0x80, v4, vm0, $0xb8;
	[tilespmem:$0x18100] =	vst v63  }
0x14b: {  	_ = 	snop  }
0x14c: {  	[tilespmem:s28], [sflag:$0x3] =	stream.indirect_vreg.gather [hbm4b:s7+s3], $0x80, v4, vm0, $0xb8;
	[tilespmem:$0x18100] =	vst v63  }
0x14d: {  	_ =	swait.ge [sflag:s29], $0x8000  }
0x14e: {  	[sflag:s29] =	ssyncset.done $0x0  }
0x14f: {  	s25 =	rddreg [dreg:$0xa];
	[sflag:s29] =	ssyncadd.s32 $0xFFFF8000  }
0x150: {  	[hbm4b:s25+s3] =	stream.linear.scatter [tilespmem:s0], [sflag:$0x6], $0x8000, $0x38;
	[tilespmem:$0x18100] =	vst v63  }
0x151: {  	_ =	swait.ge [sflag:s22], $0x8000  }
0x152: {  	[sflag:s22] =	ssyncset.done $0x0  }
0x153: {  	[sflag:s22] =	ssyncadd.s32 $0xFFFF8000  }
0x154: {  	v4 =	vld [tilespmem:$0xC0];
	_ =	sdelay $0x4  }
0x155: {  	v5 =	vshll.u32 v4, $0x3  }
0x156: {  	v4 =	vand.u32 $0x7, v4;
	v5 =	vand.u32 $0xFFFFFFC0, v5  }
0x157: {  	v4 =	vor.u32 v4, v5  }
0x158: {  	v5 =	vperm.xlane v4, v1;
	_ =	sdelay $0x1  }
0x159: {  	v5 =	vadd.s32 v2, v5;
	_ =	sdelay $0x4  }
0x15a: {  	[tilespmem:s26], [sflag:$0x1] =	stream.indirect_vreg.gather [hbm4b:s1+s3], $0x80, v5, vm0, $0xb8;
	[tilespmem:$0x18100] =	vst v63  }
0x15b: {  	s25 =	simm.s32 $0x900;
	v4 =	vperm.xlane v4, v3  }
0x15c: {  	[tilespmem:s25], [sflag:$0x1] =	stream.indirect_vreg.gather [hbm4b:s5+s3], $0x80, v5, vm0, $0xb8;
	[tilespmem:$0x18100] =	vst v63  }
0x15d: {  	v4 =	vadd.s32 v2, v4;
	s25 =	simm.s32 $0x1100  }
0x15e: {  	[tilespmem:s25], [sflag:$0x1] =	stream.indirect_vreg.gather [hbm4b:s6+s3], $0x80, v5, vm0, $0xb8;
	[tilespmem:$0x18100] =	vst v63  }
0x15f: {  	s25 =	simm.s32 $0x1900  }
0x160: {  	[tilespmem:s25], [sflag:$0x1] =	stream.indirect_vreg.gather [hbm4b:s7+s3], $0x80, v5, vm0, $0xb8;
	[tilespmem:$0x18100] =	vst v63  }
0x161: {  	s25 =	simm.s32 $0x2100  }
0x162: {  	[tilespmem:s25], [sflag:$0x1] =	stream.indirect_vreg.gather [hbm4b:s1+s3], $0x80, v4, vm0, $0xb8;
	[tilespmem:$0x18100] =	vst v63  }
0x163: {  	s25 =	simm.s32 $0x2900  }
0x164: {  	[tilespmem:s25], [sflag:$0x1] =	stream.indirect_vreg.gather [hbm4b:s5+s3], $0x80, v4, vm0, $0xb8;
	[tilespmem:$0x18100] =	vst v63  }
0x165: {  	s25 =	simm.s32 $0x3100  }
0x166: {  	[tilespmem:s25], [sflag:$0x1] =	stream.indirect_vreg.gather [hbm4b:s6+s3], $0x80, v4, vm0, $0xb8;
	[tilespmem:$0x18100] =	vst v63  }
0x167: {  	s25 =	simm.s32 $0x3900  }
0x168: {  	[tilespmem:s25], [sflag:$0x1] =	stream.indirect_vreg.gather [hbm4b:s7+s3], $0x80, v4, vm0, $0xb8;
	[tilespmem:$0x18100] =	vst v63  }
0x169: {  	v4 =	vld [tilespmem:$0xD0];
	_ =	sdelay $0x4  }
0x16a: {  	v5 =	vshll.u32 v4, $0x3  }
0x16b: {  	v4 =	vand.u32 $0x7, v4;
	v5 =	vand.u32 $0xFFFFFFC0, v5  }
0x16c: {  	v4 =	vor.u32 v4, v5  }
0x16d: {  	v5 =	vperm.xlane v4, v1;
	_ =	sdelay $0x1  }
0x16e: {  	v5 =	vadd.s32 v2, v5;
	_ =	sdelay $0x3  }
0x16f: {  	s25 =	simm.s32 $0x4100  }
0x170: {  	[tilespmem:s25], [sflag:$0x1] =	stream.indirect_vreg.gather [hbm4b:s1+s3], $0x80, v5, vm0, $0xb8;
	[tilespmem:$0x18100] =	vst v63  }
0x171: {  	v4 =	vperm.xlane v4, v3;
	s25 =	simm.s32 $0x4900  }
0x172: {  	[tilespmem:s25], [sflag:$0x1] =	stream.indirect_vreg.gather [hbm4b:s5+s3], $0x80, v5, vm0, $0xb8;
	[tilespmem:$0x18100] =	vst v63  }
0x173: {  	v4 =	vadd.s32 v2, v4;
	s25 =	simm.s32 $0x5100  }
0x174: {  	[tilespmem:s25], [sflag:$0x1] =	stream.indirect_vreg.gather [hbm4b:s6+s3], $0x80, v5, vm0, $0xb8;
	[tilespmem:$0x18100] =	vst v63  }
0x175: {  	s25 =	simm.s32 $0x5900  }
0x176: {  	[tilespmem:s25], [sflag:$0x1] =	stream.indirect_vreg.gather [hbm4b:s7+s3], $0x80, v5, vm0, $0xb8;
	[tilespmem:$0x18100] =	vst v63  }
0x177: {  	s25 =	simm.s32 $0x6100  }
0x178: {  	[tilespmem:s25], [sflag:$0x1] =	stream.indirect_vreg.gather [hbm4b:s1+s3], $0x80, v4, vm0, $0xb8;
	[tilespmem:$0x18100] =	vst v63  }
0x179: {  	s25 =	simm.s32 $0x6900  }
0x17a: {  	[tilespmem:s25], [sflag:$0x1] =	stream.indirect_vreg.gather [hbm4b:s5+s3], $0x80, v4, vm0, $0xb8;
	[tilespmem:$0x18100] =	vst v63  }
0x17b: {  	s25 =	simm.s32 $0x7100  }
0x17c: {  	[tilespmem:s25], [sflag:$0x1] =	stream.indirect_vreg.gather [hbm4b:s6+s3], $0x80, v4, vm0, $0xb8;
	[tilespmem:$0x18100] =	vst v63  }
0x17d: {  	s25 =	simm.s32 $0x7900  }
0x17e: {  	[tilespmem:s25], [sflag:$0x1] =	stream.indirect_vreg.gather [hbm4b:s7+s3], $0x80, v4, vm0, $0xb8;
	[tilespmem:$0x18100] =	vst v63  }
0x17f: {  	_ =	swait.ge [sflag:s31], $0x8000  }
0x180: {  	[sflag:s31] =	ssyncset.done $0x0  }
0x181: {  	s0 =	rddreg [dreg:$0xb];
	[sflag:s31] =	ssyncadd.s32 $0xFFFF8000  }
0x182: {  	[hbm4b:s0+s3] =	stream.linear.scatter [tilespmem:s26], [sflag:$0x4], $0x8000, $0x38;
	[tilespmem:$0x18100] =	vst v63  }
0x183: {  	_ =	swait.ge [sflag:s23], $0x8000  }
0x184: {  	[sflag:s23] =	ssyncset.done $0x0  }
0x185: {  	[sflag:s23] =	ssyncadd.s32 $0xFFFF8000  }
0x186: {  	v4 =	vld [tilespmem:$0xE0];
	_ =	sdelay $0x4  }
0x187: {  	v5 =	vshll.u32 v4, $0x3  }
0x188: {  	v4 =	vand.u32 $0x7, v4;
	v5 =	vand.u32 $0xFFFFFFC0, v5  }
0x189: {  	v4 =	vor.u32 v4, v5  }
0x18a: {  	v5 =	vperm.xlane v4, v1;
	_ =	sdelay $0x1  }
0x18b: {  	v5 =	vadd.s32 v2, v5;
	_ =	sdelay $0x4  }
0x18c: {  	[tilespmem:s21], [sflag:$0x2] =	stream.indirect_vreg.gather [hbm4b:s1+s3], $0x80, v5, vm0, $0xb8;
	[tilespmem:$0x18100] =	vst v63  }
0x18d: {  	s25 =	simm.s32 $0x8900;
	v4 =	vperm.xlane v4, v3  }
0x18e: {  	[tilespmem:s25], [sflag:$0x2] =	stream.indirect_vreg.gather [hbm4b:s5+s3], $0x80, v5, vm0, $0xb8;
	[tilespmem:$0x18100] =	vst v63  }
0x18f: {  	v4 =	vadd.s32 v2, v4;
	s25 =	simm.s32 $0x9100  }
0x190: {  	[tilespmem:s25], [sflag:$0x2] =	stream.indirect_vreg.gather [hbm4b:s6+s3], $0x80, v5, vm0, $0xb8;
	[tilespmem:$0x18100] =	vst v63  }
0x191: {  	s25 =	simm.s32 $0x9900  }
0x192: {  	[tilespmem:s25], [sflag:$0x2] =	stream.indirect_vreg.gather [hbm4b:s7+s3], $0x80, v5, vm0, $0xb8;
	[tilespmem:$0x18100] =	vst v63  }
0x193: {  	s25 =	simm.s32 $0xA100  }
0x194: {  	[tilespmem:s25], [sflag:$0x2] =	stream.indirect_vreg.gather [hbm4b:s1+s3], $0x80, v4, vm0, $0xb8;
	[tilespmem:$0x18100] =	vst v63  }
0x195: {  	s25 =	simm.s32 $0xA900  }
0x196: {  	[tilespmem:s25], [sflag:$0x2] =	stream.indirect_vreg.gather [hbm4b:s5+s3], $0x80, v4, vm0, $0xb8;
	[tilespmem:$0x18100] =	vst v63  }
0x197: {  	s25 =	simm.s32 $0xB100  }
0x198: {  	[tilespmem:s25], [sflag:$0x2] =	stream.indirect_vreg.gather [hbm4b:s6+s3], $0x80, v4, vm0, $0xb8;
	[tilespmem:$0x18100] =	vst v63  }
0x199: {  	s25 =	simm.s32 $0xB900  }
0x19a: {  	[tilespmem:s25], [sflag:$0x2] =	stream.indirect_vreg.gather [hbm4b:s7+s3], $0x80, v4, vm0, $0xb8;
	[tilespmem:$0x18100] =	vst v63  }
0x19b: {  	v4 =	vld [tilespmem:$0xF0];
	_ =	sdelay $0x4  }
0x19c: {  	v5 =	vshll.u32 v4, $0x3  }
0x19d: {  	v4 =	vand.u32 $0x7, v4;
	v5 =	vand.u32 $0xFFFFFFC0, v5  }
0x19e: {  	v4 =	vor.u32 v4, v5  }
0x19f: {  	v5 =	vperm.xlane v4, v1;
	_ =	sdelay $0x1  }
0x1a0: {  	v5 =	vadd.s32 v2, v5;
	_ =	sdelay $0x3  }
0x1a1: {  	s25 =	simm.s32 $0xC100  }
0x1a2: {  	[tilespmem:s25], [sflag:$0x2] =	stream.indirect_vreg.gather [hbm4b:s1+s3], $0x80, v5, vm0, $0xb8;
	[tilespmem:$0x18100] =	vst v63  }
0x1a3: {  	v4 =	vperm.xlane v4, v3;
	s25 =	simm.s32 $0xC900  }
0x1a4: {  	[tilespmem:s25], [sflag:$0x2] =	stream.indirect_vreg.gather [hbm4b:s5+s3], $0x80, v5, vm0, $0xb8;
	[tilespmem:$0x18100] =	vst v63  }
0x1a5: {  	v4 =	vadd.s32 v2, v4;
	s25 =	simm.s32 $0xD100  }
0x1a6: {  	[tilespmem:s25], [sflag:$0x2] =	stream.indirect_vreg.gather [hbm4b:s6+s3], $0x80, v5, vm0, $0xb8;
	[tilespmem:$0x18100] =	vst v63  }
0x1a7: {  	s25 =	simm.s32 $0xD900  }
0x1a8: {  	[tilespmem:s25], [sflag:$0x2] =	stream.indirect_vreg.gather [hbm4b:s7+s3], $0x80, v5, vm0, $0xb8;
	[tilespmem:$0x18100] =	vst v63  }
0x1a9: {  	s25 =	simm.s32 $0xE100  }
0x1aa: {  	[tilespmem:s25], [sflag:$0x2] =	stream.indirect_vreg.gather [hbm4b:s1+s3], $0x80, v4, vm0, $0xb8;
	[tilespmem:$0x18100] =	vst v63  }
0x1ab: {  	s25 =	simm.s32 $0xE900  }
0x1ac: {  	[tilespmem:s25], [sflag:$0x2] =	stream.indirect_vreg.gather [hbm4b:s5+s3], $0x80, v4, vm0, $0xb8;
	[tilespmem:$0x18100] =	vst v63  }
0x1ad: {  	s25 =	simm.s32 $0xF100  }
0x1ae: {  	[tilespmem:s25], [sflag:$0x2] =	stream.indirect_vreg.gather [hbm4b:s6+s3], $0x80, v4, vm0, $0xb8;
	[tilespmem:$0x18100] =	vst v63  }
0x1af: {  	s25 =	simm.s32 $0xF900  }
0x1b0: {  	[tilespmem:s25], [sflag:$0x2] =	stream.indirect_vreg.gather [hbm4b:s7+s3], $0x80, v4, vm0, $0xb8;
	[tilespmem:$0x18100] =	vst v63  }
0x1b1: {  	_ =	swait.ge [sflag:s19], $0x8000  }
0x1b2: {  	[sflag:s19] =	ssyncset.done $0x0  }
0x1b3: {  	s0 =	rddreg [dreg:$0xc];
	[sflag:s19] =	ssyncadd.s32 $0xFFFF8000  }
0x1b4: {  	[hbm4b:s0+s3] =	stream.linear.scatter [tilespmem:s21], [sflag:$0x5], $0x8000, $0x38;
	[tilespmem:$0x18100] =	vst v63  }
0x1b5: {  	_ =	swait.ge [sflag:s30], $0x8000  }
0x1b6: {  	[sflag:s30] =	ssyncset.done $0x0  }
0x1b7: {  	[sflag:s30] =	ssyncadd.s32 $0xFFFF8000  }
0x1b8: {  	p0 =	sne.s32 s8, $0x1;
	_ =	swait.ge [sflag:s22], $0x8000  }
.Ltmp0:
0x1b9: {  	[sflag:s22] =	ssyncset.done $0x0;
	(pc) =	sbr.rel @p0 .LBB2_1-.Ltmp0, $4  }
0x1ba: {  	[sflag:s22] =	ssyncadd.s32 $0xFFFF8000  }
0x1bb: {  	_ =	swait.ge [sflag:s23], $0x8000  }
0x1bc: {  	[sflag:s23] =	ssyncset.done $0x0  }
0x1bd: {  	s8 =	sadd.s32 $0xFFFFFFFF, s8;
	[sflag:s23] =	ssyncadd.s32 $0xFFFF8000  }
0x1be: {  	_ =	sfence.sel $0x180000  }
0x1bf: {  	[bflag:$0x0] =	sbarrier.arrive $0xFFFF  }
0x1c0: {  	_ =	strace $0x90000047  }
0x1c1: {  	s0 =	stileid.u32;
	[bflag:$0x2] =	sbarrier.arrive $0xFFFF  }
0x1c2: {  	p0 =	sne.s32 s0, $0x0;
	s0 =	rddreg [dreg:$0x3]  }
0x1c3: {  	s0 =	sadd.s32 @!p0 $0x100000, s0  }
0x1c4: {  	[sflag:s0] =	ssyncadd.tile.s32 @!p0 $0x1;
	_ =	shalt  }
.Lfunc_end2:
_tile_overlayer_lowered:
.L_overlay_start_2:
0x1c5: {  	(tag) =	ssettag $0x2  }
0x1c6: {  	s0 =	rddreg [dreg:$0x0];
	s2 =	stileid.u32  }
0x1c7: {  	s1 =	rddreg [dreg:$0x1];
	p0 =	sne.s32 s2, $0x0  }
0x1c8: {  	s3 =	rddreg [dreg:$0x2];
	[bflag:$0x3] =	sbarrier.arrive $0xFFFF;
	s2 =	simm.s32 @!p0 $0x1C07  }
0x1c9: {  	[timem:s3], [sflag:s2] =	dma.local @!p0 [hbm:s0], s1  }
0x1ca: {  	s0 =	simm.s32 @!p0 $0x7  }
0x1cb: {  	_ =	swait.ge @!p0 [sflag:s0], s1  }
0x1cc: {  	s1 =	ssub.s32 @!p0 $0x0, s1;
	[sflag:s0] =	ssyncset.done @!p0 $0x0  }
0x1cd: {  	[sflag:s0] =	ssyncadd.s32 @!p0 s1  }
0x1ce: {  	[bflag:$0x3] =	sbarrier.arrive $0xFFFF  }
0x1cf: {  	_ =	shalt  }

</sc_bundles>
